<compile_context>
chip_gen: v7x
topology: tpu7x:2x2x1
jax: 0.10.2.dev20260603
libtpu: 0.0.44.dev20260713+nightly
codegen_flags: <defaults>
</compile_context>

<pallas_src>
import jax
import jax.numpy as jnp
from jax import lax
from jax.experimental import pallas as pl
from jax.experimental.pallas import tpu as pltpu
from jax.experimental.pallas import tpu_sc as plsc

B = 16384
L = 200
V = 1000
D_IN = 100
D_OUT = 21
DPAD = 24
VPAD = 1008
NC, NS = 2, 16
NW = NC * NS
BAGS_PER_W = B // NW
NG = BAGS_PER_W // 16
IDX_PER_W = BAGS_PER_W * L


def _table_body(emb_ref, w_ref, b_ref, out_ref):
    p = jnp.dot(emb_ref[...], w_ref[...].T,
                preferred_element_type=jnp.float32) * (1.0 / L)
    out_ref[...] = jnp.concatenate([p, b_ref[...]], axis=0)


def _fused_table(emb_weight, w_pad, b_rows):
    return pl.pallas_call(
        _table_body,
        out_shape=jax.ShapeDtypeStruct((VPAD, DPAD), jnp.float32),
    )(emb_weight, w_pad, b_rows)


def _sc_body(table_hbm, idx_hbm, out_hbm, table_v, idx_v, ob0, ob1,
             sem, osem0, osem1):
    wid = lax.axis_index("s") * NC + lax.axis_index("c")
    pltpu.sync_copy(table_hbm, table_v)
    pltpu.sync_copy(idx_hbm.at[pl.ds(wid * IDX_PER_W, IDX_PER_W)],
                    idx_v.at[pl.ds(0, IDX_PER_W)])

    lanes = lax.iota(jnp.int32, 16)
    lane_off = lanes * L
    bias_row = jnp.full((16,), V, jnp.int32)
    cols = [jnp.full((16,), c, jnp.int32) for c in range(D_OUT)]

    def do_group(g, ob, osem):
        gbase = g * (16 * L)
        vidx0 = plsc.load_gather(idx_v, [lane_off + gbase])

        def body(l, carry):
            vidx = carry[0]
            a = list(carry[1:])
            vidx_next = plsc.load_gather(idx_v, [lane_off + (gbase + l + 1)])
            for c in range(D_OUT):
                a[c] = a[c] + plsc.load_gather(table_v, [vidx, cols[c]])
            return (vidx_next,) + tuple(a)

        init = tuple(plsc.load_gather(table_v, [bias_row, cols[c]])
                     for c in range(D_OUT))
        accs = lax.fori_loop(0, L, body, (vidx0,) + init)[1:]
        for c in range(D_OUT):
            plsc.store_scatter(ob, [lanes, cols[c]], accs[c])
        return pltpu.async_copy(
            ob, out_hbm.at[pl.ds(wid * BAGS_PER_W + g * 16, 16)], osem)

    @pl.loop(0, NG, step=2)
    def _(g):
        h0 = do_group(g, ob0, osem0)
        h1 = do_group(g + 1, ob1, osem1)
        h0.wait()
        h1.wait()


def kernel(input, emb_weight, lin_w, lin_b):
    idx = jnp.asarray(input, jnp.int32).reshape(-1)
    w_pad = jnp.zeros((DPAD, D_IN), jnp.float32).at[:D_OUT].set(
        lin_w.astype(jnp.float32))
    b_rows = jnp.zeros((VPAD - V, DPAD), jnp.float32).at[:, :D_OUT].set(
        lin_b.astype(jnp.float32))
    table = _fused_table(emb_weight.astype(jnp.float32), w_pad, b_rows)

    mesh = plsc.VectorSubcoreMesh(core_axis_name="c", subcore_axis_name="s")
    bag_sum = pl.kernel(
        _sc_body,
        mesh=mesh,
        compiler_params=pltpu.CompilerParams(
            use_tc_tiling_on_sc=False, needs_layout_passes=False),
        out_type=jax.ShapeDtypeStruct((B, D_OUT), jnp.float32),
        scratch_types=[
            pltpu.VMEM((VPAD, DPAD), jnp.float32),
            pltpu.VMEM((IDX_PER_W + 16,), jnp.int32),
            pltpu.VMEM((16, D_OUT), jnp.float32),
            pltpu.VMEM((16, D_OUT), jnp.float32),
            pltpu.SemaphoreType.DMA,
            pltpu.SemaphoreType.DMA,
            pltpu.SemaphoreType.DMA,
        ],
    )
    return bag_sum(table, idx)

# --- scband reference (transcript-rebuilt; emitter-appended) ---
"""Pipeline reference for scband-character-lid-23776938951152 (READ-ONLY COPY).

The authoritative reference and input builder live on the scoring server;
editing this copy changes nothing except your own understanding.
"""

import jax, jax.numpy as jnp
import numpy as np


def setup_inputs(seed: int = 0) -> dict:
    key = jax.random.key(seed)
    k1, k2, k3, k4 = jax.random.split(key, 4)
    inp = jax.random.randint(k1, (16384, 200), 0, 1000)
    emb_weight = jax.random.normal(k2, (1000, 100), dtype=jnp.float32)
    lin_w = jax.random.normal(k3, (21, 100), dtype=jnp.float32) * 0.1
    lin_b = jax.random.normal(k4, (21,), dtype=jnp.float32) * 0.1
    return {"input": inp, "emb_weight": emb_weight, "lin_w": lin_w, "lin_b": lin_b}


def reference(input, emb_weight, lin_w, lin_b):
    # nn.EmbeddingBag with default mode='mean' on a [B, L] input:
    # gather rows then mean over the bag (L) dimension.
    bags = jnp.take(emb_weight, input, axis=0)  # [B, L, D]
    bags = jnp.mean(bags, axis=1)               # [B, D]
    # nn.Linear
    out = bags @ lin_w.T + lin_b                 # [B, num_classes]
    # Note: self.activation (LogSoftmax) is defined but NOT applied in forward.
    return out

if __name__ == "__main__":
    import jax
    _d = setup_inputs()
    print(jax.jit(kernel)(*tuple(_d.values())))

</pallas_src>

<mosaic_0001>
#map = affine_map<(d0, d1) -> (0, 0)>
#map1 = affine_map<(d0, d1) -> (0)>
module attributes {stable_mosaic.version = 14 : i64} {
  func.func @_sc_body(%arg0: i32, %arg1: i32, %arg2: memref<1008x24xf32, #tpu.memory_space<hbm>>, %arg3: memref<3276800xi32, #tpu.memory_space<hbm>>, %arg4: memref<16384x21xf32, #tpu.memory_space<hbm>>, %arg5: memref<1008x24xf32, #tpu.memory_space<vmem>>, %arg6: memref<102416xi32, #tpu.memory_space<vmem>>, %arg7: memref<16x21xf32, #tpu.memory_space<vmem>>, %arg8: memref<16x21xf32, #tpu.memory_space<vmem>>, %arg9: memref<!tpu.dma_semaphore, #tpu.memory_space<semaphore_mem>>, %arg10: memref<!tpu.dma_semaphore, #tpu.memory_space<semaphore_mem>>, %arg11: memref<!tpu.dma_semaphore, #tpu.memory_space<semaphore_mem>>) attributes {dimension_semantics = [#tpu.dimension_semantics<core_parallel>, #tpu.dimension_semantics<subcore_parallel>], iteration_bounds = array<i64: 2, 16>, scalar_prefetch = 0 : i64, scratch_operands = 7 : i64, tpu.core_type = #tpu.core_type<sc_vector_subcore>, window_params = [{transform_indices = #map}, {transform_indices = #map1}, {transform_indices = #map}]} {
    %mul3A = arith.constant 2 : i32
    %mul3A_0 = arith.muli %arg1, %mul3A : i32
    %add3A = arith.addi %mul3A_0, %arg0 : i32
    "tpu.region"() ({
      %run_scoped3A = tpu.sem_alloc : memref<!tpu.dma_semaphore, #tpu.memory_space<semaphore_mem>>
      tpu.enqueue_dma source(%arg2 : memref<1008x24xf32, #tpu.memory_space<hbm>>) target(%arg5 : memref<1008x24xf32, #tpu.memory_space<vmem>>) target_semaphore(%run_scoped3A : memref<!tpu.dma_semaphore, #tpu.memory_space<semaphore_mem>>)
      tpu.wait_dma2 semaphore(%run_scoped3A : memref<!tpu.dma_semaphore, #tpu.memory_space<semaphore_mem>>) src(%arg2 : memref<1008x24xf32, #tpu.memory_space<hbm>>) dst(%arg5 : memref<1008x24xf32, #tpu.memory_space<vmem>>)
      tpu.yield
    }) : () -> ()
    %mul3A_1 = arith.constant 102400 : i32
    %mul3A_2 = arith.muli %add3A, %mul3A_1 : i32
    "tpu.region"() ({
      %run_scoped3A = tpu.sem_alloc : memref<!tpu.dma_semaphore, #tpu.memory_space<semaphore_mem>>
      %dma_start3A = arith.constant 0 : i32
      %dma_start3A_53 = tpu.memref_slice %arg6[%dma_start3A] : memref<102416xi32, #tpu.memory_space<vmem>> -> memref<102400xi32, #tpu.memory_space<vmem>>
      %dma_start3A_54 = tpu.memref_slice %arg3[%mul3A_2] : memref<3276800xi32, #tpu.memory_space<hbm>> -> memref<102400xi32, #tpu.memory_space<hbm>>
      %dma_start3A_55 = arith.constant 0 : i32
      %dma_start3A_56 = tpu.memref_slice %arg6[%dma_start3A_55] : memref<102416xi32, #tpu.memory_space<vmem>> -> memref<102400xi32, #tpu.memory_space<vmem>>
      %dma_start3A_57 = tpu.memref_slice %arg3[%mul3A_2] : memref<3276800xi32, #tpu.memory_space<hbm>> -> memref<102400xi32, #tpu.memory_space<hbm>>
      tpu.enqueue_dma source(%dma_start3A_57 : memref<102400xi32, #tpu.memory_space<hbm>>) target(%dma_start3A_56 : memref<102400xi32, #tpu.memory_space<vmem>>) target_semaphore(%run_scoped3A : memref<!tpu.dma_semaphore, #tpu.memory_space<semaphore_mem>>)
      %dma_wait3A = arith.constant 0 : i32
      %dma_wait3A_58 = tpu.memref_slice %arg6[%dma_wait3A] : memref<102416xi32, #tpu.memory_space<vmem>> -> memref<102400xi32, #tpu.memory_space<vmem>>
      %dma_wait3A_59 = tpu.memref_slice %arg3[%mul3A_2] : memref<3276800xi32, #tpu.memory_space<hbm>> -> memref<102400xi32, #tpu.memory_space<hbm>>
      %dma_wait3A_60 = arith.constant 0 : i32
      %dma_wait3A_61 = tpu.memref_slice %arg6[%dma_wait3A_60] : memref<102416xi32, #tpu.memory_space<vmem>> -> memref<102400xi32, #tpu.memory_space<vmem>>
      %dma_wait3A_62 = tpu.memref_slice %arg3[%mul3A_2] : memref<3276800xi32, #tpu.memory_space<hbm>> -> memref<102400xi32, #tpu.memory_space<hbm>>
      tpu.wait_dma2 semaphore(%run_scoped3A : memref<!tpu.dma_semaphore, #tpu.memory_space<semaphore_mem>>) src(%dma_wait3A_62 : memref<102400xi32, #tpu.memory_space<hbm>>) dst(%dma_wait3A_61 : memref<102400xi32, #tpu.memory_space<vmem>>)
      tpu.yield
    }) : () -> ()
    %iota3A = tpu.iota {dimensions = array<i32: 0>} : vector<16xi32>
    %mul3A_3 = arith.constant 200 : i32
    %mul3A_4 = vector.broadcast %mul3A_3 : i32 to vector<16xi32>
    %mul3A_5 = arith.muli %iota3A, %mul3A_4 : vector<16xi32>
    %broadcast_in_dim3A = arith.constant 1000 : i32
    %broadcast_in_dim3A_6 = vector.broadcast %broadcast_in_dim3A : i32 to vector<16xi32>
    %broadcast_in_dim3A_7 = arith.constant 0 : i32
    %broadcast_in_dim3A_8 = vector.broadcast %broadcast_in_dim3A_7 : i32 to vector<16xi32>
    %broadcast_in_dim3A_9 = arith.constant 1 : i32
    %broadcast_in_dim3A_10 = vector.broadcast %broadcast_in_dim3A_9 : i32 to vector<16xi32>
    %broadcast_in_dim3A_11 = arith.constant 2 : i32
    %broadcast_in_dim3A_12 = vector.broadcast %broadcast_in_dim3A_11 : i32 to vector<16xi32>
    %broadcast_in_dim3A_13 = arith.constant 3 : i32
    %broadcast_in_dim3A_14 = vector.broadcast %broadcast_in_dim3A_13 : i32 to vector<16xi32>
    %broadcast_in_dim3A_15 = arith.constant 4 : i32
    %broadcast_in_dim3A_16 = vector.broadcast %broadcast_in_dim3A_15 : i32 to vector<16xi32>
    %broadcast_in_dim3A_17 = arith.constant 5 : i32
    %broadcast_in_dim3A_18 = vector.broadcast %broadcast_in_dim3A_17 : i32 to vector<16xi32>
    %broadcast_in_dim3A_19 = arith.constant 6 : i32
    %broadcast_in_dim3A_20 = vector.broadcast %broadcast_in_dim3A_19 : i32 to vector<16xi32>
    %broadcast_in_dim3A_21 = arith.constant 7 : i32
    %broadcast_in_dim3A_22 = vector.broadcast %broadcast_in_dim3A_21 : i32 to vector<16xi32>
    %broadcast_in_dim3A_23 = arith.constant 8 : i32
    %broadcast_in_dim3A_24 = vector.broadcast %broadcast_in_dim3A_23 : i32 to vector<16xi32>
    %broadcast_in_dim3A_25 = arith.constant 9 : i32
    %broadcast_in_dim3A_26 = vector.broadcast %broadcast_in_dim3A_25 : i32 to vector<16xi32>
    %broadcast_in_dim3A_27 = arith.constant 10 : i32
    %broadcast_in_dim3A_28 = vector.broadcast %broadcast_in_dim3A_27 : i32 to vector<16xi32>
    %broadcast_in_dim3A_29 = arith.constant 11 : i32
    %broadcast_in_dim3A_30 = vector.broadcast %broadcast_in_dim3A_29 : i32 to vector<16xi32>
    %broadcast_in_dim3A_31 = arith.constant 12 : i32
    %broadcast_in_dim3A_32 = vector.broadcast %broadcast_in_dim3A_31 : i32 to vector<16xi32>
    %broadcast_in_dim3A_33 = arith.constant 13 : i32
    %broadcast_in_dim3A_34 = vector.broadcast %broadcast_in_dim3A_33 : i32 to vector<16xi32>
    %broadcast_in_dim3A_35 = arith.constant 14 : i32
    %broadcast_in_dim3A_36 = vector.broadcast %broadcast_in_dim3A_35 : i32 to vector<16xi32>
    %broadcast_in_dim3A_37 = arith.constant 15 : i32
    %broadcast_in_dim3A_38 = vector.broadcast %broadcast_in_dim3A_37 : i32 to vector<16xi32>
    %broadcast_in_dim3A_39 = arith.constant 16 : i32
    %broadcast_in_dim3A_40 = vector.broadcast %broadcast_in_dim3A_39 : i32 to vector<16xi32>
    %broadcast_in_dim3A_41 = arith.constant 17 : i32
    %broadcast_in_dim3A_42 = vector.broadcast %broadcast_in_dim3A_41 : i32 to vector<16xi32>
    %broadcast_in_dim3A_43 = arith.constant 18 : i32
    %broadcast_in_dim3A_44 = vector.broadcast %broadcast_in_dim3A_43 : i32 to vector<16xi32>
    %broadcast_in_dim3A_45 = arith.constant 19 : i32
    %broadcast_in_dim3A_46 = vector.broadcast %broadcast_in_dim3A_45 : i32 to vector<16xi32>
    %broadcast_in_dim3A_47 = arith.constant 20 : i32
    %broadcast_in_dim3A_48 = vector.broadcast %broadcast_in_dim3A_47 : i32 to vector<16xi32>
    %scan3A = arith.constant 0 : i32
    %scan3A_49 = arith.constant 16 : i32
    %scan3A_50 = arith.addi %scan3A, %scan3A_49 : i32
    %scan3A_51 = arith.constant 1 : i32
    scf.for %scan3A_53 = %scan3A to %scan3A_50 step %scan3A_51  : i32 {
      %mul3A_54 = arith.constant 2 : i32
      %mul3A_55 = arith.muli %scan3A_53, %mul3A_54 : i32
      %add3A_56 = arith.constant 0 : i32
      %add3A_57 = arith.addi %add3A_56, %mul3A_55 : i32
      %mul3A_58 = arith.constant 3200 : i32
      %mul3A_59 = arith.muli %add3A_57, %mul3A_58 : i32
      %add3A_60 = vector.broadcast %mul3A_59 : i32 to vector<16xi32>
      %add3A_61 = arith.addi %mul3A_5, %add3A_60 : vector<16xi32>
      %gather3A = tpu.vector_load_idx %arg6[%add3A_61] : memref<102416xi32, #tpu.memory_space<vmem>>[vector<16xi32>], vector<16xi32>,
      %gather3A_62 = tpu.vector_load_idx %arg5[%broadcast_in_dim3A_6, %broadcast_in_dim3A_8] : memref<1008x24xf32, #tpu.memory_space<vmem>>[vector<16xi32>, vector<16xi32>], vector<16xf32>,
      %gather3A_63 = tpu.vector_load_idx %arg5[%broadcast_in_dim3A_6, %broadcast_in_dim3A_10] : memref<1008x24xf32, #tpu.memory_space<vmem>>[vector<16xi32>, vector<16xi32>], vector<16xf32>,
      %gather3A_64 = tpu.vector_load_idx %arg5[%broadcast_in_dim3A_6, %broadcast_in_dim3A_12] : memref<1008x24xf32, #tpu.memory_space<vmem>>[vector<16xi32>, vector<16xi32>], vector<16xf32>,
      %gather3A_65 = tpu.vector_load_idx %arg5[%broadcast_in_dim3A_6, %broadcast_in_dim3A_14] : memref<1008x24xf32, #tpu.memory_space<vmem>>[vector<16xi32>, vector<16xi32>], vector<16xf32>,
      %gather3A_66 = tpu.vector_load_idx %arg5[%broadcast_in_dim3A_6, %broadcast_in_dim3A_16] : memref<1008x24xf32, #tpu.memory_space<vmem>>[vector<16xi32>, vector<16xi32>], vector<16xf32>,
      %gather3A_67 = tpu.vector_load_idx %arg5[%broadcast_in_dim3A_6, %broadcast_in_dim3A_18] : memref<1008x24xf32, #tpu.memory_space<vmem>>[vector<16xi32>, vector<16xi32>], vector<16xf32>,
      %gather3A_68 = tpu.vector_load_idx %arg5[%broadcast_in_dim3A_6, %broadcast_in_dim3A_20] : memref<1008x24xf32, #tpu.memory_space<vmem>>[vector<16xi32>, vector<16xi32>], vector<16xf32>,
      %gather3A_69 = tpu.vector_load_idx %arg5[%broadcast_in_dim3A_6, %broadcast_in_dim3A_22] : memref<1008x24xf32, #tpu.memory_space<vmem>>[vector<16xi32>, vector<16xi32>], vector<16xf32>,
      %gather3A_70 = tpu.vector_load_idx %arg5[%broadcast_in_dim3A_6, %broadcast_in_dim3A_24] : memref<1008x24xf32, #tpu.memory_space<vmem>>[vector<16xi32>, vector<16xi32>], vector<16xf32>,
      %gather3A_71 = tpu.vector_load_idx %arg5[%broadcast_in_dim3A_6, %broadcast_in_dim3A_26] : memref<1008x24xf32, #tpu.memory_space<vmem>>[vector<16xi32>, vector<16xi32>], vector<16xf32>,
      %gather3A_72 = tpu.vector_load_idx %arg5[%broadcast_in_dim3A_6, %broadcast_in_dim3A_28] : memref<1008x24xf32, #tpu.memory_space<vmem>>[vector<16xi32>, vector<16xi32>], vector<16xf32>,
      %gather3A_73 = tpu.vector_load_idx %arg5[%broadcast_in_dim3A_6, %broadcast_in_dim3A_30] : memref<1008x24xf32, #tpu.memory_space<vmem>>[vector<16xi32>, vector<16xi32>], vector<16xf32>,
      %gather3A_74 = tpu.vector_load_idx %arg5[%broadcast_in_dim3A_6, %broadcast_in_dim3A_32] : memref<1008x24xf32, #tpu.memory_space<vmem>>[vector<16xi32>, vector<16xi32>], vector<16xf32>,
      %gather3A_75 = tpu.vector_load_idx %arg5[%broadcast_in_dim3A_6, %broadcast_in_dim3A_34] : memref<1008x24xf32, #tpu.memory_space<vmem>>[vector<16xi32>, vector<16xi32>], vector<16xf32>,
      %gather3A_76 = tpu.vector_load_idx %arg5[%broadcast_in_dim3A_6, %broadcast_in_dim3A_36] : memref<1008x24xf32, #tpu.memory_space<vmem>>[vector<16xi32>, vector<16xi32>], vector<16xf32>,
      %gather3A_77 = tpu.vector_load_idx %arg5[%broadcast_in_dim3A_6, %broadcast_in_dim3A_38] : memref<1008x24xf32, #tpu.memory_space<vmem>>[vector<16xi32>, vector<16xi32>], vector<16xf32>,
      %gather3A_78 = tpu.vector_load_idx %arg5[%broadcast_in_dim3A_6, %broadcast_in_dim3A_40] : memref<1008x24xf32, #tpu.memory_space<vmem>>[vector<16xi32>, vector<16xi32>], vector<16xf32>,
      %gather3A_79 = tpu.vector_load_idx %arg5[%broadcast_in_dim3A_6, %broadcast_in_dim3A_42] : memref<1008x24xf32, #tpu.memory_space<vmem>>[vector<16xi32>, vector<16xi32>], vector<16xf32>,
      %gather3A_80 = tpu.vector_load_idx %arg5[%broadcast_in_dim3A_6, %broadcast_in_dim3A_44] : memref<1008x24xf32, #tpu.memory_space<vmem>>[vector<16xi32>, vector<16xi32>], vector<16xf32>,
      %gather3A_81 = tpu.vector_load_idx %arg5[%broadcast_in_dim3A_6, %broadcast_in_dim3A_46] : memref<1008x24xf32, #tpu.memory_space<vmem>>[vector<16xi32>, vector<16xi32>], vector<16xf32>,
      %gather3A_82 = tpu.vector_load_idx %arg5[%broadcast_in_dim3A_6, %broadcast_in_dim3A_48] : memref<1008x24xf32, #tpu.memory_space<vmem>>[vector<16xi32>, vector<16xi32>], vector<16xf32>,
      %scan3A_83 = arith.constant 0 : i32
      %scan3A_84 = arith.constant 200 : i32
      %scan3A_85 = arith.addi %scan3A_83, %scan3A_84 : i32
      %scan3A_86 = arith.constant 1 : i32
      %scan3A_87:22 = scf.for %scan3A_147 = %scan3A_83 to %scan3A_85 step %scan3A_86 iter_args(%scan3A_148 = %gather3A, %scan3A_149 = %gather3A_62, %scan3A_150 = %gather3A_63, %scan3A_151 = %gather3A_64, %scan3A_152 = %gather3A_65, %scan3A_153 = %gather3A_66, %scan3A_154 = %gather3A_67, %scan3A_155 = %gather3A_68, %scan3A_156 = %gather3A_69, %scan3A_157 = %gather3A_70, %scan3A_158 = %gather3A_71, %scan3A_159 = %gather3A_72, %scan3A_160 = %gather3A_73, %scan3A_161 = %gather3A_74, %scan3A_162 = %gather3A_75, %scan3A_163 = %gather3A_76, %scan3A_164 = %gather3A_77, %scan3A_165 = %gather3A_78, %scan3A_166 = %gather3A_79, %scan3A_167 = %gather3A_80, %scan3A_168 = %gather3A_81, %scan3A_169 = %gather3A_82) -> (vector<16xi32>, vector<16xf32>, vector<16xf32>, vector<16xf32>, vector<16xf32>, vector<16xf32>, vector<16xf32>, vector<16xf32>, vector<16xf32>, vector<16xf32>, vector<16xf32>, vector<16xf32>, vector<16xf32>, vector<16xf32>, vector<16xf32>, vector<16xf32>, vector<16xf32>, vector<16xf32>, vector<16xf32>, vector<16xf32>, vector<16xf32>, vector<16xf32>)  : i32 {
        %add3A_170 = arith.addi %mul3A_59, %scan3A_147 : i32
        %add3A_171 = arith.constant 1 : i32
        %add3A_172 = arith.addi %add3A_170, %add3A_171 : i32
        %add3A_173 = vector.broadcast %add3A_172 : i32 to vector<16xi32>
        %add3A_174 = arith.addi %mul3A_5, %add3A_173 : vector<16xi32>
        %gather3A_175 = tpu.vector_load_idx %arg6[%add3A_174] : memref<102416xi32, #tpu.memory_space<vmem>>[vector<16xi32>], vector<16xi32>,
        %gather3A_176 = tpu.vector_load_idx %arg5[%scan3A_148, %broadcast_in_dim3A_8] : memref<1008x24xf32, #tpu.memory_space<vmem>>[vector<16xi32>, vector<16xi32>], vector<16xf32>,
        %add3A_177 = arith.addf %scan3A_149, %gather3A_176 : vector<16xf32>
        %gather3A_178 = tpu.vector_load_idx %arg5[%scan3A_148, %broadcast_in_dim3A_10] : memref<1008x24xf32, #tpu.memory_space<vmem>>[vector<16xi32>, vector<16xi32>], vector<16xf32>,
        %add3A_179 = arith.addf %scan3A_150, %gather3A_178 : vector<16xf32>
        %gather3A_180 = tpu.vector_load_idx %arg5[%scan3A_148, %broadcast_in_dim3A_12] : memref<1008x24xf32, #tpu.memory_space<vmem>>[vector<16xi32>, vector<16xi32>], vector<16xf32>,
        %add3A_181 = arith.addf %scan3A_151, %gather3A_180 : vector<16xf32>
        %gather3A_182 = tpu.vector_load_idx %arg5[%scan3A_148, %broadcast_in_dim3A_14] : memref<1008x24xf32, #tpu.memory_space<vmem>>[vector<16xi32>, vector<16xi32>], vector<16xf32>,
        %add3A_183 = arith.addf %scan3A_152, %gather3A_182 : vector<16xf32>
        %gather3A_184 = tpu.vector_load_idx %arg5[%scan3A_148, %broadcast_in_dim3A_16] : memref<1008x24xf32, #tpu.memory_space<vmem>>[vector<16xi32>, vector<16xi32>], vector<16xf32>,
        %add3A_185 = arith.addf %scan3A_153, %gather3A_184 : vector<16xf32>
        %gather3A_186 = tpu.vector_load_idx %arg5[%scan3A_148, %broadcast_in_dim3A_18] : memref<1008x24xf32, #tpu.memory_space<vmem>>[vector<16xi32>, vector<16xi32>], vector<16xf32>,
        %add3A_187 = arith.addf %scan3A_154, %gather3A_186 : vector<16xf32>
        %gather3A_188 = tpu.vector_load_idx %arg5[%scan3A_148, %broadcast_in_dim3A_20] : memref<1008x24xf32, #tpu.memory_space<vmem>>[vector<16xi32>, vector<16xi32>], vector<16xf32>,
        %add3A_189 = arith.addf %scan3A_155, %gather3A_188 : vector<16xf32>
        %gather3A_190 = tpu.vector_load_idx %arg5[%scan3A_148, %broadcast_in_dim3A_22] : memref<1008x24xf32, #tpu.memory_space<vmem>>[vector<16xi32>, vector<16xi32>], vector<16xf32>,
        %add3A_191 = arith.addf %scan3A_156, %gather3A_190 : vector<16xf32>
        %gather3A_192 = tpu.vector_load_idx %arg5[%scan3A_148, %broadcast_in_dim3A_24] : memref<1008x24xf32, #tpu.memory_space<vmem>>[vector<16xi32>, vector<16xi32>], vector<16xf32>,
        %add3A_193 = arith.addf %scan3A_157, %gather3A_192 : vector<16xf32>
        %gather3A_194 = tpu.vector_load_idx %arg5[%scan3A_148, %broadcast_in_dim3A_26] : memref<1008x24xf32, #tpu.memory_space<vmem>>[vector<16xi32>, vector<16xi32>], vector<16xf32>,
        %add3A_195 = arith.addf %scan3A_158, %gather3A_194 : vector<16xf32>
        %gather3A_196 = tpu.vector_load_idx %arg5[%scan3A_148, %broadcast_in_dim3A_28] : memref<1008x24xf32, #tpu.memory_space<vmem>>[vector<16xi32>, vector<16xi32>], vector<16xf32>,
        %add3A_197 = arith.addf %scan3A_159, %gather3A_196 : vector<16xf32>
        %gather3A_198 = tpu.vector_load_idx %arg5[%scan3A_148, %broadcast_in_dim3A_30] : memref<1008x24xf32, #tpu.memory_space<vmem>>[vector<16xi32>, vector<16xi32>], vector<16xf32>,
        %add3A_199 = arith.addf %scan3A_160, %gather3A_198 : vector<16xf32>
        %gather3A_200 = tpu.vector_load_idx %arg5[%scan3A_148, %broadcast_in_dim3A_32] : memref<1008x24xf32, #tpu.memory_space<vmem>>[vector<16xi32>, vector<16xi32>], vector<16xf32>,
        %add3A_201 = arith.addf %scan3A_161, %gather3A_200 : vector<16xf32>
        %gather3A_202 = tpu.vector_load_idx %arg5[%scan3A_148, %broadcast_in_dim3A_34] : memref<1008x24xf32, #tpu.memory_space<vmem>>[vector<16xi32>, vector<16xi32>], vector<16xf32>,
        %add3A_203 = arith.addf %scan3A_162, %gather3A_202 : vector<16xf32>
        %gather3A_204 = tpu.vector_load_idx %arg5[%scan3A_148, %broadcast_in_dim3A_36] : memref<1008x24xf32, #tpu.memory_space<vmem>>[vector<16xi32>, vector<16xi32>], vector<16xf32>,
        %add3A_205 = arith.addf %scan3A_163, %gather3A_204 : vector<16xf32>
        %gather3A_206 = tpu.vector_load_idx %arg5[%scan3A_148, %broadcast_in_dim3A_38] : memref<1008x24xf32, #tpu.memory_space<vmem>>[vector<16xi32>, vector<16xi32>], vector<16xf32>,
        %add3A_207 = arith.addf %scan3A_164, %gather3A_206 : vector<16xf32>
        %gather3A_208 = tpu.vector_load_idx %arg5[%scan3A_148, %broadcast_in_dim3A_40] : memref<1008x24xf32, #tpu.memory_space<vmem>>[vector<16xi32>, vector<16xi32>], vector<16xf32>,
        %add3A_209 = arith.addf %scan3A_165, %gather3A_208 : vector<16xf32>
        %gather3A_210 = tpu.vector_load_idx %arg5[%scan3A_148, %broadcast_in_dim3A_42] : memref<1008x24xf32, #tpu.memory_space<vmem>>[vector<16xi32>, vector<16xi32>], vector<16xf32>,
        %add3A_211 = arith.addf %scan3A_166, %gather3A_210 : vector<16xf32>
        %gather3A_212 = tpu.vector_load_idx %arg5[%scan3A_148, %broadcast_in_dim3A_44] : memref<1008x24xf32, #tpu.memory_space<vmem>>[vector<16xi32>, vector<16xi32>], vector<16xf32>,
        %add3A_213 = arith.addf %scan3A_167, %gather3A_212 : vector<16xf32>
        %gather3A_214 = tpu.vector_load_idx %arg5[%scan3A_148, %broadcast_in_dim3A_46] : memref<1008x24xf32, #tpu.memory_space<vmem>>[vector<16xi32>, vector<16xi32>], vector<16xf32>,
        %add3A_215 = arith.addf %scan3A_168, %gather3A_214 : vector<16xf32>
        %gather3A_216 = tpu.vector_load_idx %arg5[%scan3A_148, %broadcast_in_dim3A_48] : memref<1008x24xf32, #tpu.memory_space<vmem>>[vector<16xi32>, vector<16xi32>], vector<16xf32>,
        %add3A_217 = arith.addf %scan3A_169, %gather3A_216 : vector<16xf32>
        scf.yield %gather3A_175, %add3A_177, %add3A_179, %add3A_181, %add3A_183, %add3A_185, %add3A_187, %add3A_189, %add3A_191, %add3A_193, %add3A_195, %add3A_197, %add3A_199, %add3A_201, %add3A_203, %add3A_205, %add3A_207, %add3A_209, %add3A_211, %add3A_213, %add3A_215, %add3A_217 : vector<16xi32>, vector<16xf32>, vector<16xf32>, vector<16xf32>, vector<16xf32>, vector<16xf32>, vector<16xf32>, vector<16xf32>, vector<16xf32>, vector<16xf32>, vector<16xf32>, vector<16xf32>, vector<16xf32>, vector<16xf32>, vector<16xf32>, vector<16xf32>, vector<16xf32>, vector<16xf32>, vector<16xf32>, vector<16xf32>, vector<16xf32>, vector<16xf32>
      }
      %scan3A_88 = arith.constant 200 : i32
      tpu.vector_store_idx %arg7[%iota3A, %broadcast_in_dim3A_8], %scan3A_87#1 : memref<16x21xf32, #tpu.memory_space<vmem>>[vector<16xi32>, vector<16xi32>], vector<16xf32>,
      tpu.vector_store_idx %arg7[%iota3A, %broadcast_in_dim3A_10], %scan3A_87#2 : memref<16x21xf32, #tpu.memory_space<vmem>>[vector<16xi32>, vector<16xi32>], vector<16xf32>,
      tpu.vector_store_idx %arg7[%iota3A, %broadcast_in_dim3A_12], %scan3A_87#3 : memref<16x21xf32, #tpu.memory_space<vmem>>[vector<16xi32>, vector<16xi32>], vector<16xf32>,
      tpu.vector_store_idx %arg7[%iota3A, %broadcast_in_dim3A_14], %scan3A_87#4 : memref<16x21xf32, #tpu.memory_space<vmem>>[vector<16xi32>, vector<16xi32>], vector<16xf32>,
      tpu.vector_store_idx %arg7[%iota3A, %broadcast_in_dim3A_16], %scan3A_87#5 : memref<16x21xf32, #tpu.memory_space<vmem>>[vector<16xi32>, vector<16xi32>], vector<16xf32>,
      tpu.vector_store_idx %arg7[%iota3A, %broadcast_in_dim3A_18], %scan3A_87#6 : memref<16x21xf32, #tpu.memory_space<vmem>>[vector<16xi32>, vector<16xi32>], vector<16xf32>,
      tpu.vector_store_idx %arg7[%iota3A, %broadcast_in_dim3A_20], %scan3A_87#7 : memref<16x21xf32, #tpu.memory_space<vmem>>[vector<16xi32>, vector<16xi32>], vector<16xf32>,
      tpu.vector_store_idx %arg7[%iota3A, %broadcast_in_dim3A_22], %scan3A_87#8 : memref<16x21xf32, #tpu.memory_space<vmem>>[vector<16xi32>, vector<16xi32>], vector<16xf32>,
      tpu.vector_store_idx %arg7[%iota3A, %broadcast_in_dim3A_24], %scan3A_87#9 : memref<16x21xf32, #tpu.memory_space<vmem>>[vector<16xi32>, vector<16xi32>], vector<16xf32>,
      tpu.vector_store_idx %arg7[%iota3A, %broadcast_in_dim3A_26], %scan3A_87#10 : memref<16x21xf32, #tpu.memory_space<vmem>>[vector<16xi32>, vector<16xi32>], vector<16xf32>,
      tpu.vector_store_idx %arg7[%iota3A, %broadcast_in_dim3A_28], %scan3A_87#11 : memref<16x21xf32, #tpu.memory_space<vmem>>[vector<16xi32>, vector<16xi32>], vector<16xf32>,
      tpu.vector_store_idx %arg7[%iota3A, %broadcast_in_dim3A_30], %scan3A_87#12 : memref<16x21xf32, #tpu.memory_space<vmem>>[vector<16xi32>, vector<16xi32>], vector<16xf32>,
      tpu.vector_store_idx %arg7[%iota3A, %broadcast_in_dim3A_32], %scan3A_87#13 : memref<16x21xf32, #tpu.memory_space<vmem>>[vector<16xi32>, vector<16xi32>], vector<16xf32>,
      tpu.vector_store_idx %arg7[%iota3A, %broadcast_in_dim3A_34], %scan3A_87#14 : memref<16x21xf32, #tpu.memory_space<vmem>>[vector<16xi32>, vector<16xi32>], vector<16xf32>,
      tpu.vector_store_idx %arg7[%iota3A, %broadcast_in_dim3A_36], %scan3A_87#15 : memref<16x21xf32, #tpu.memory_space<vmem>>[vector<16xi32>, vector<16xi32>], vector<16xf32>,
      tpu.vector_store_idx %arg7[%iota3A, %broadcast_in_dim3A_38], %scan3A_87#16 : memref<16x21xf32, #tpu.memory_space<vmem>>[vector<16xi32>, vector<16xi32>], vector<16xf32>,
      tpu.vector_store_idx %arg7[%iota3A, %broadcast_in_dim3A_40], %scan3A_87#17 : memref<16x21xf32, #tpu.memory_space<vmem>>[vector<16xi32>, vector<16xi32>], vector<16xf32>,
      tpu.vector_store_idx %arg7[%iota3A, %broadcast_in_dim3A_42], %scan3A_87#18 : memref<16x21xf32, #tpu.memory_space<vmem>>[vector<16xi32>, vector<16xi32>], vector<16xf32>,
      tpu.vector_store_idx %arg7[%iota3A, %broadcast_in_dim3A_44], %scan3A_87#19 : memref<16x21xf32, #tpu.memory_space<vmem>>[vector<16xi32>, vector<16xi32>], vector<16xf32>,
      tpu.vector_store_idx %arg7[%iota3A, %broadcast_in_dim3A_46], %scan3A_87#20 : memref<16x21xf32, #tpu.memory_space<vmem>>[vector<16xi32>, vector<16xi32>], vector<16xf32>,
      tpu.vector_store_idx %arg7[%iota3A, %broadcast_in_dim3A_48], %scan3A_87#21 : memref<16x21xf32, #tpu.memory_space<vmem>>[vector<16xi32>, vector<16xi32>], vector<16xf32>,
      %mul3A_89 = arith.constant 512 : i32
      %mul3A_90 = arith.muli %add3A, %mul3A_89 : i32
      %mul3A_91 = arith.constant 16 : i32
      %mul3A_92 = arith.muli %add3A_57, %mul3A_91 : i32
      %add3A_93 = arith.addi %mul3A_90, %mul3A_92 : i32
      %dma_start3A = arith.constant 0 : i32
      %dma_start3A_94 = tpu.memref_slice %arg4[%add3A_93, %dma_start3A] : memref<16384x21xf32, #tpu.memory_space<hbm>> -> memref<16x21xf32, #tpu.memory_space<hbm>>
      %dma_start3A_95 = arith.constant 0 : i32
      %dma_start3A_96 = tpu.memref_slice %arg4[%add3A_93, %dma_start3A_95] : memref<16384x21xf32, #tpu.memory_space<hbm>> -> memref<16x21xf32, #tpu.memory_space<hbm>>
      tpu.enqueue_dma source(%arg7 : memref<16x21xf32, #tpu.memory_space<vmem>>) target(%dma_start3A_96 : memref<16x21xf32, #tpu.memory_space<hbm>>) target_semaphore(%arg10 : memref<!tpu.dma_semaphore, #tpu.memory_space<semaphore_mem>>)
      %add3A_97 = arith.constant 1 : i32
      %add3A_98 = arith.addi %add3A_57, %add3A_97 : i32
      %mul3A_99 = arith.constant 3200 : i32
      %mul3A_100 = arith.muli %add3A_98, %mul3A_99 : i32
      %add3A_101 = vector.broadcast %mul3A_100 : i32 to vector<16xi32>
      %add3A_102 = arith.addi %mul3A_5, %add3A_101 : vector<16xi32>
      %gather3A_103 = tpu.vector_load_idx %arg6[%add3A_102] : memref<102416xi32, #tpu.memory_space<vmem>>[vector<16xi32>], vector<16xi32>,
      %gather3A_104 = tpu.vector_load_idx %arg5[%broadcast_in_dim3A_6, %broadcast_in_dim3A_8] : memref<1008x24xf32, #tpu.memory_space<vmem>>[vector<16xi32>, vector<16xi32>], vector<16xf32>,
      %gather3A_105 = tpu.vector_load_idx %arg5[%broadcast_in_dim3A_6, %broadcast_in_dim3A_10] : memref<1008x24xf32, #tpu.memory_space<vmem>>[vector<16xi32>, vector<16xi32>], vector<16xf32>,
      %gather3A_106 = tpu.vector_load_idx %arg5[%broadcast_in_dim3A_6, %broadcast_in_dim3A_12] : memref<1008x24xf32, #tpu.memory_space<vmem>>[vector<16xi32>, vector<16xi32>], vector<16xf32>,
      %gather3A_107 = tpu.vector_load_idx %arg5[%broadcast_in_dim3A_6, %broadcast_in_dim3A_14] : memref<1008x24xf32, #tpu.memory_space<vmem>>[vector<16xi32>, vector<16xi32>], vector<16xf32>,
      %gather3A_108 = tpu.vector_load_idx %arg5[%broadcast_in_dim3A_6, %broadcast_in_dim3A_16] : memref<1008x24xf32, #tpu.memory_space<vmem>>[vector<16xi32>, vector<16xi32>], vector<16xf32>,
      %gather3A_109 = tpu.vector_load_idx %arg5[%broadcast_in_dim3A_6, %broadcast_in_dim3A_18] : memref<1008x24xf32, #tpu.memory_space<vmem>>[vector<16xi32>, vector<16xi32>], vector<16xf32>,
      %gather3A_110 = tpu.vector_load_idx %arg5[%broadcast_in_dim3A_6, %broadcast_in_dim3A_20] : memref<1008x24xf32, #tpu.memory_space<vmem>>[vector<16xi32>, vector<16xi32>], vector<16xf32>,
      %gather3A_111 = tpu.vector_load_idx %arg5[%broadcast_in_dim3A_6, %broadcast_in_dim3A_22] : memref<1008x24xf32, #tpu.memory_space<vmem>>[vector<16xi32>, vector<16xi32>], vector<16xf32>,
      %gather3A_112 = tpu.vector_load_idx %arg5[%broadcast_in_dim3A_6, %broadcast_in_dim3A_24] : memref<1008x24xf32, #tpu.memory_space<vmem>>[vector<16xi32>, vector<16xi32>], vector<16xf32>,
      %gather3A_113 = tpu.vector_load_idx %arg5[%broadcast_in_dim3A_6, %broadcast_in_dim3A_26] : memref<1008x24xf32, #tpu.memory_space<vmem>>[vector<16xi32>, vector<16xi32>], vector<16xf32>,
      %gather3A_114 = tpu.vector_load_idx %arg5[%broadcast_in_dim3A_6, %broadcast_in_dim3A_28] : memref<1008x24xf32, #tpu.memory_space<vmem>>[vector<16xi32>, vector<16xi32>], vector<16xf32>,
      %gather3A_115 = tpu.vector_load_idx %arg5[%broadcast_in_dim3A_6, %broadcast_in_dim3A_30] : memref<1008x24xf32, #tpu.memory_space<vmem>>[vector<16xi32>, vector<16xi32>], vector<16xf32>,
      %gather3A_116 = tpu.vector_load_idx %arg5[%broadcast_in_dim3A_6, %broadcast_in_dim3A_32] : memref<1008x24xf32, #tpu.memory_space<vmem>>[vector<16xi32>, vector<16xi32>], vector<16xf32>,
      %gather3A_117 = tpu.vector_load_idx %arg5[%broadcast_in_dim3A_6, %broadcast_in_dim3A_34] : memref<1008x24xf32, #tpu.memory_space<vmem>>[vector<16xi32>, vector<16xi32>], vector<16xf32>,
      %gather3A_118 = tpu.vector_load_idx %arg5[%broadcast_in_dim3A_6, %broadcast_in_dim3A_36] : memref<1008x24xf32, #tpu.memory_space<vmem>>[vector<16xi32>, vector<16xi32>], vector<16xf32>,
      %gather3A_119 = tpu.vector_load_idx %arg5[%broadcast_in_dim3A_6, %broadcast_in_dim3A_38] : memref<1008x24xf32, #tpu.memory_space<vmem>>[vector<16xi32>, vector<16xi32>], vector<16xf32>,
      %gather3A_120 = tpu.vector_load_idx %arg5[%broadcast_in_dim3A_6, %broadcast_in_dim3A_40] : memref<1008x24xf32, #tpu.memory_space<vmem>>[vector<16xi32>, vector<16xi32>], vector<16xf32>,
      %gather3A_121 = tpu.vector_load_idx %arg5[%broadcast_in_dim3A_6, %broadcast_in_dim3A_42] : memref<1008x24xf32, #tpu.memory_space<vmem>>[vector<16xi32>, vector<16xi32>], vector<16xf32>,
      %gather3A_122 = tpu.vector_load_idx %arg5[%broadcast_in_dim3A_6, %broadcast_in_dim3A_44] : memref<1008x24xf32, #tpu.memory_space<vmem>>[vector<16xi32>, vector<16xi32>], vector<16xf32>,
      %gather3A_123 = tpu.vector_load_idx %arg5[%broadcast_in_dim3A_6, %broadcast_in_dim3A_46] : memref<1008x24xf32, #tpu.memory_space<vmem>>[vector<16xi32>, vector<16xi32>], vector<16xf32>,
      %gather3A_124 = tpu.vector_load_idx %arg5[%broadcast_in_dim3A_6, %broadcast_in_dim3A_48] : memref<1008x24xf32, #tpu.memory_space<vmem>>[vector<16xi32>, vector<16xi32>], vector<16xf32>,
      %scan3A_125 = arith.constant 0 : i32
      %scan3A_126 = arith.constant 200 : i32
      %scan3A_127 = arith.addi %scan3A_125, %scan3A_126 : i32
      %scan3A_128 = arith.constant 1 : i32
      %scan3A_129:22 = scf.for %scan3A_147 = %scan3A_125 to %scan3A_127 step %scan3A_128 iter_args(%scan3A_148 = %gather3A_103, %scan3A_149 = %gather3A_104, %scan3A_150 = %gather3A_105, %scan3A_151 = %gather3A_106, %scan3A_152 = %gather3A_107, %scan3A_153 = %gather3A_108, %scan3A_154 = %gather3A_109, %scan3A_155 = %gather3A_110, %scan3A_156 = %gather3A_111, %scan3A_157 = %gather3A_112, %scan3A_158 = %gather3A_113, %scan3A_159 = %gather3A_114, %scan3A_160 = %gather3A_115, %scan3A_161 = %gather3A_116, %scan3A_162 = %gather3A_117, %scan3A_163 = %gather3A_118, %scan3A_164 = %gather3A_119, %scan3A_165 = %gather3A_120, %scan3A_166 = %gather3A_121, %scan3A_167 = %gather3A_122, %scan3A_168 = %gather3A_123, %scan3A_169 = %gather3A_124) -> (vector<16xi32>, vector<16xf32>, vector<16xf32>, vector<16xf32>, vector<16xf32>, vector<16xf32>, vector<16xf32>, vector<16xf32>, vector<16xf32>, vector<16xf32>, vector<16xf32>, vector<16xf32>, vector<16xf32>, vector<16xf32>, vector<16xf32>, vector<16xf32>, vector<16xf32>, vector<16xf32>, vector<16xf32>, vector<16xf32>, vector<16xf32>, vector<16xf32>)  : i32 {
        %add3A_170 = arith.addi %mul3A_100, %scan3A_147 : i32
        %add3A_171 = arith.constant 1 : i32
        %add3A_172 = arith.addi %add3A_170, %add3A_171 : i32
        %add3A_173 = vector.broadcast %add3A_172 : i32 to vector<16xi32>
        %add3A_174 = arith.addi %mul3A_5, %add3A_173 : vector<16xi32>
        %gather3A_175 = tpu.vector_load_idx %arg6[%add3A_174] : memref<102416xi32, #tpu.memory_space<vmem>>[vector<16xi32>], vector<16xi32>,
        %gather3A_176 = tpu.vector_load_idx %arg5[%scan3A_148, %broadcast_in_dim3A_8] : memref<1008x24xf32, #tpu.memory_space<vmem>>[vector<16xi32>, vector<16xi32>], vector<16xf32>,
        %add3A_177 = arith.addf %scan3A_149, %gather3A_176 : vector<16xf32>
        %gather3A_178 = tpu.vector_load_idx %arg5[%scan3A_148, %broadcast_in_dim3A_10] : memref<1008x24xf32, #tpu.memory_space<vmem>>[vector<16xi32>, vector<16xi32>], vector<16xf32>,
        %add3A_179 = arith.addf %scan3A_150, %gather3A_178 : vector<16xf32>
        %gather3A_180 = tpu.vector_load_idx %arg5[%scan3A_148, %broadcast_in_dim3A_12] : memref<1008x24xf32, #tpu.memory_space<vmem>>[vector<16xi32>, vector<16xi32>], vector<16xf32>,
        %add3A_181 = arith.addf %scan3A_151, %gather3A_180 : vector<16xf32>
        %gather3A_182 = tpu.vector_load_idx %arg5[%scan3A_148, %broadcast_in_dim3A_14] : memref<1008x24xf32, #tpu.memory_space<vmem>>[vector<16xi32>, vector<16xi32>], vector<16xf32>,
        %add3A_183 = arith.addf %scan3A_152, %gather3A_182 : vector<16xf32>
        %gather3A_184 = tpu.vector_load_idx %arg5[%scan3A_148, %broadcast_in_dim3A_16] : memref<1008x24xf32, #tpu.memory_space<vmem>>[vector<16xi32>, vector<16xi32>], vector<16xf32>,
        %add3A_185 = arith.addf %scan3A_153, %gather3A_184 : vector<16xf32>
        %gather3A_186 = tpu.vector_load_idx %arg5[%scan3A_148, %broadcast_in_dim3A_18] : memref<1008x24xf32, #tpu.memory_space<vmem>>[vector<16xi32>, vector<16xi32>], vector<16xf32>,
        %add3A_187 = arith.addf %scan3A_154, %gather3A_186 : vector<16xf32>
        %gather3A_188 = tpu.vector_load_idx %arg5[%scan3A_148, %broadcast_in_dim3A_20] : memref<1008x24xf32, #tpu.memory_space<vmem>>[vector<16xi32>, vector<16xi32>], vector<16xf32>,
        %add3A_189 = arith.addf %scan3A_155, %gather3A_188 : vector<16xf32>
        %gather3A_190 = tpu.vector_load_idx %arg5[%scan3A_148, %broadcast_in_dim3A_22] : memref<1008x24xf32, #tpu.memory_space<vmem>>[vector<16xi32>, vector<16xi32>], vector<16xf32>,
        %add3A_191 = arith.addf %scan3A_156, %gather3A_190 : vector<16xf32>
        %gather3A_192 = tpu.vector_load_idx %arg5[%scan3A_148, %broadcast_in_dim3A_24] : memref<1008x24xf32, #tpu.memory_space<vmem>>[vector<16xi32>, vector<16xi32>], vector<16xf32>,
        %add3A_193 = arith.addf %scan3A_157, %gather3A_192 : vector<16xf32>
        %gather3A_194 = tpu.vector_load_idx %arg5[%scan3A_148, %broadcast_in_dim3A_26] : memref<1008x24xf32, #tpu.memory_space<vmem>>[vector<16xi32>, vector<16xi32>], vector<16xf32>,
        %add3A_195 = arith.addf %scan3A_158, %gather3A_194 : vector<16xf32>
        %gather3A_196 = tpu.vector_load_idx %arg5[%scan3A_148, %broadcast_in_dim3A_28] : memref<1008x24xf32, #tpu.memory_space<vmem>>[vector<16xi32>, vector<16xi32>], vector<16xf32>,
        %add3A_197 = arith.addf %scan3A_159, %gather3A_196 : vector<16xf32>
        %gather3A_198 = tpu.vector_load_idx %arg5[%scan3A_148, %broadcast_in_dim3A_30] : memref<1008x24xf32, #tpu.memory_space<vmem>>[vector<16xi32>, vector<16xi32>], vector<16xf32>,
        %add3A_199 = arith.addf %scan3A_160, %gather3A_198 : vector<16xf32>
        %gather3A_200 = tpu.vector_load_idx %arg5[%scan3A_148, %broadcast_in_dim3A_32] : memref<1008x24xf32, #tpu.memory_space<vmem>>[vector<16xi32>, vector<16xi32>], vector<16xf32>,
        %add3A_201 = arith.addf %scan3A_161, %gather3A_200 : vector<16xf32>
        %gather3A_202 = tpu.vector_load_idx %arg5[%scan3A_148, %broadcast_in_dim3A_34] : memref<1008x24xf32, #tpu.memory_space<vmem>>[vector<16xi32>, vector<16xi32>], vector<16xf32>,
        %add3A_203 = arith.addf %scan3A_162, %gather3A_202 : vector<16xf32>
        %gather3A_204 = tpu.vector_load_idx %arg5[%scan3A_148, %broadcast_in_dim3A_36] : memref<1008x24xf32, #tpu.memory_space<vmem>>[vector<16xi32>, vector<16xi32>], vector<16xf32>,
        %add3A_205 = arith.addf %scan3A_163, %gather3A_204 : vector<16xf32>
        %gather3A_206 = tpu.vector_load_idx %arg5[%scan3A_148, %broadcast_in_dim3A_38] : memref<1008x24xf32, #tpu.memory_space<vmem>>[vector<16xi32>, vector<16xi32>], vector<16xf32>,
        %add3A_207 = arith.addf %scan3A_164, %gather3A_206 : vector<16xf32>
        %gather3A_208 = tpu.vector_load_idx %arg5[%scan3A_148, %broadcast_in_dim3A_40] : memref<1008x24xf32, #tpu.memory_space<vmem>>[vector<16xi32>, vector<16xi32>], vector<16xf32>,
        %add3A_209 = arith.addf %scan3A_165, %gather3A_208 : vector<16xf32>
        %gather3A_210 = tpu.vector_load_idx %arg5[%scan3A_148, %broadcast_in_dim3A_42] : memref<1008x24xf32, #tpu.memory_space<vmem>>[vector<16xi32>, vector<16xi32>], vector<16xf32>,
        %add3A_211 = arith.addf %scan3A_166, %gather3A_210 : vector<16xf32>
        %gather3A_212 = tpu.vector_load_idx %arg5[%scan3A_148, %broadcast_in_dim3A_44] : memref<1008x24xf32, #tpu.memory_space<vmem>>[vector<16xi32>, vector<16xi32>], vector<16xf32>,
        %add3A_213 = arith.addf %scan3A_167, %gather3A_212 : vector<16xf32>
        %gather3A_214 = tpu.vector_load_idx %arg5[%scan3A_148, %broadcast_in_dim3A_46] : memref<1008x24xf32, #tpu.memory_space<vmem>>[vector<16xi32>, vector<16xi32>], vector<16xf32>,
        %add3A_215 = arith.addf %scan3A_168, %gather3A_214 : vector<16xf32>
        %gather3A_216 = tpu.vector_load_idx %arg5[%scan3A_148, %broadcast_in_dim3A_48] : memref<1008x24xf32, #tpu.memory_space<vmem>>[vector<16xi32>, vector<16xi32>], vector<16xf32>,
        %add3A_217 = arith.addf %scan3A_169, %gather3A_216 : vector<16xf32>
        scf.yield %gather3A_175, %add3A_177, %add3A_179, %add3A_181, %add3A_183, %add3A_185, %add3A_187, %add3A_189, %add3A_191, %add3A_193, %add3A_195, %add3A_197, %add3A_199, %add3A_201, %add3A_203, %add3A_205, %add3A_207, %add3A_209, %add3A_211, %add3A_213, %add3A_215, %add3A_217 : vector<16xi32>, vector<16xf32>, vector<16xf32>, vector<16xf32>, vector<16xf32>, vector<16xf32>, vector<16xf32>, vector<16xf32>, vector<16xf32>, vector<16xf32>, vector<16xf32>, vector<16xf32>, vector<16xf32>, vector<16xf32>, vector<16xf32>, vector<16xf32>, vector<16xf32>, vector<16xf32>, vector<16xf32>, vector<16xf32>, vector<16xf32>, vector<16xf32>
      }
      %scan3A_130 = arith.constant 200 : i32
      tpu.vector_store_idx %arg8[%iota3A, %broadcast_in_dim3A_8], %scan3A_129#1 : memref<16x21xf32, #tpu.memory_space<vmem>>[vector<16xi32>, vector<16xi32>], vector<16xf32>,
      tpu.vector_store_idx %arg8[%iota3A, %broadcast_in_dim3A_10], %scan3A_129#2 : memref<16x21xf32, #tpu.memory_space<vmem>>[vector<16xi32>, vector<16xi32>], vector<16xf32>,
      tpu.vector_store_idx %arg8[%iota3A, %broadcast_in_dim3A_12], %scan3A_129#3 : memref<16x21xf32, #tpu.memory_space<vmem>>[vector<16xi32>, vector<16xi32>], vector<16xf32>,
      tpu.vector_store_idx %arg8[%iota3A, %broadcast_in_dim3A_14], %scan3A_129#4 : memref<16x21xf32, #tpu.memory_space<vmem>>[vector<16xi32>, vector<16xi32>], vector<16xf32>,
      tpu.vector_store_idx %arg8[%iota3A, %broadcast_in_dim3A_16], %scan3A_129#5 : memref<16x21xf32, #tpu.memory_space<vmem>>[vector<16xi32>, vector<16xi32>], vector<16xf32>,
      tpu.vector_store_idx %arg8[%iota3A, %broadcast_in_dim3A_18], %scan3A_129#6 : memref<16x21xf32, #tpu.memory_space<vmem>>[vector<16xi32>, vector<16xi32>], vector<16xf32>,
      tpu.vector_store_idx %arg8[%iota3A, %broadcast_in_dim3A_20], %scan3A_129#7 : memref<16x21xf32, #tpu.memory_space<vmem>>[vector<16xi32>, vector<16xi32>], vector<16xf32>,
      tpu.vector_store_idx %arg8[%iota3A, %broadcast_in_dim3A_22], %scan3A_129#8 : memref<16x21xf32, #tpu.memory_space<vmem>>[vector<16xi32>, vector<16xi32>], vector<16xf32>,
      tpu.vector_store_idx %arg8[%iota3A, %broadcast_in_dim3A_24], %scan3A_129#9 : memref<16x21xf32, #tpu.memory_space<vmem>>[vector<16xi32>, vector<16xi32>], vector<16xf32>,
      tpu.vector_store_idx %arg8[%iota3A, %broadcast_in_dim3A_26], %scan3A_129#10 : memref<16x21xf32, #tpu.memory_space<vmem>>[vector<16xi32>, vector<16xi32>], vector<16xf32>,
      tpu.vector_store_idx %arg8[%iota3A, %broadcast_in_dim3A_28], %scan3A_129#11 : memref<16x21xf32, #tpu.memory_space<vmem>>[vector<16xi32>, vector<16xi32>], vector<16xf32>,
      tpu.vector_store_idx %arg8[%iota3A, %broadcast_in_dim3A_30], %scan3A_129#12 : memref<16x21xf32, #tpu.memory_space<vmem>>[vector<16xi32>, vector<16xi32>], vector<16xf32>,
      tpu.vector_store_idx %arg8[%iota3A, %broadcast_in_dim3A_32], %scan3A_129#13 : memref<16x21xf32, #tpu.memory_space<vmem>>[vector<16xi32>, vector<16xi32>], vector<16xf32>,
      tpu.vector_store_idx %arg8[%iota3A, %broadcast_in_dim3A_34], %scan3A_129#14 : memref<16x21xf32, #tpu.memory_space<vmem>>[vector<16xi32>, vector<16xi32>], vector<16xf32>,
      tpu.vector_store_idx %arg8[%iota3A, %broadcast_in_dim3A_36], %scan3A_129#15 : memref<16x21xf32, #tpu.memory_space<vmem>>[vector<16xi32>, vector<16xi32>], vector<16xf32>,
      tpu.vector_store_idx %arg8[%iota3A, %broadcast_in_dim3A_38], %scan3A_129#16 : memref<16x21xf32, #tpu.memory_space<vmem>>[vector<16xi32>, vector<16xi32>], vector<16xf32>,
      tpu.vector_store_idx %arg8[%iota3A, %broadcast_in_dim3A_40], %scan3A_129#17 : memref<16x21xf32, #tpu.memory_space<vmem>>[vector<16xi32>, vector<16xi32>], vector<16xf32>,
      tpu.vector_store_idx %arg8[%iota3A, %broadcast_in_dim3A_42], %scan3A_129#18 : memref<16x21xf32, #tpu.memory_space<vmem>>[vector<16xi32>, vector<16xi32>], vector<16xf32>,
      tpu.vector_store_idx %arg8[%iota3A, %broadcast_in_dim3A_44], %scan3A_129#19 : memref<16x21xf32, #tpu.memory_space<vmem>>[vector<16xi32>, vector<16xi32>], vector<16xf32>,
      tpu.vector_store_idx %arg8[%iota3A, %broadcast_in_dim3A_46], %scan3A_129#20 : memref<16x21xf32, #tpu.memory_space<vmem>>[vector<16xi32>, vector<16xi32>], vector<16xf32>,
      tpu.vector_store_idx %arg8[%iota3A, %broadcast_in_dim3A_48], %scan3A_129#21 : memref<16x21xf32, #tpu.memory_space<vmem>>[vector<16xi32>, vector<16xi32>], vector<16xf32>,
      %mul3A_131 = arith.constant 512 : i32
      %mul3A_132 = arith.muli %add3A, %mul3A_131 : i32
      %mul3A_133 = arith.constant 16 : i32
      %mul3A_134 = arith.muli %add3A_98, %mul3A_133 : i32
      %add3A_135 = arith.addi %mul3A_132, %mul3A_134 : i32
      %dma_start3A_136 = arith.constant 0 : i32
      %dma_start3A_137 = tpu.memref_slice %arg4[%add3A_135, %dma_start3A_136] : memref<16384x21xf32, #tpu.memory_space<hbm>> -> memref<16x21xf32, #tpu.memory_space<hbm>>
      %dma_start3A_138 = arith.constant 0 : i32
      %dma_start3A_139 = tpu.memref_slice %arg4[%add3A_135, %dma_start3A_138] : memref<16384x21xf32, #tpu.memory_space<hbm>> -> memref<16x21xf32, #tpu.memory_space<hbm>>
      tpu.enqueue_dma source(%arg8 : memref<16x21xf32, #tpu.memory_space<vmem>>) target(%dma_start3A_139 : memref<16x21xf32, #tpu.memory_space<hbm>>) target_semaphore(%arg11 : memref<!tpu.dma_semaphore, #tpu.memory_space<semaphore_mem>>)
      %dma_wait3A = arith.constant 0 : i32
      %dma_wait3A_140 = tpu.memref_slice %arg4[%add3A_93, %dma_wait3A] : memref<16384x21xf32, #tpu.memory_space<hbm>> -> memref<16x21xf32, #tpu.memory_space<hbm>>
      %dma_wait3A_141 = arith.constant 0 : i32
      %dma_wait3A_142 = tpu.memref_slice %arg4[%add3A_93, %dma_wait3A_141] : memref<16384x21xf32, #tpu.memory_space<hbm>> -> memref<16x21xf32, #tpu.memory_space<hbm>>
      tpu.wait_dma2 semaphore(%arg10 : memref<!tpu.dma_semaphore, #tpu.memory_space<semaphore_mem>>) src(%arg7 : memref<16x21xf32, #tpu.memory_space<vmem>>) dst(%dma_wait3A_142 : memref<16x21xf32, #tpu.memory_space<hbm>>)
      %dma_wait3A_143 = arith.constant 0 : i32
      %dma_wait3A_144 = tpu.memref_slice %arg4[%add3A_135, %dma_wait3A_143] : memref<16384x21xf32, #tpu.memory_space<hbm>> -> memref<16x21xf32, #tpu.memory_space<hbm>>
      %dma_wait3A_145 = arith.constant 0 : i32
      %dma_wait3A_146 = tpu.memref_slice %arg4[%add3A_135, %dma_wait3A_145] : memref<16384x21xf32, #tpu.memory_space<hbm>> -> memref<16x21xf32, #tpu.memory_space<hbm>>
      tpu.wait_dma2 semaphore(%arg11 : memref<!tpu.dma_semaphore, #tpu.memory_space<semaphore_mem>>) src(%arg8 : memref<16x21xf32, #tpu.memory_space<vmem>>) dst(%dma_wait3A_146 : memref<16x21xf32, #tpu.memory_space<hbm>>)
    }
    %scan3A_52 = arith.constant 16 : i32
    return
  }
}

module attributes {stable_mosaic.version = 14 : i64} {
  func.func @_table_body(%arg0: memref<1000x100xf32, #tpu.memory_space<vmem>>, %arg1: memref<24x100xf32, #tpu.memory_space<vmem>>, %arg2: memref<8x24xf32, #tpu.memory_space<vmem>>, %arg3: memref<1008x24xf32, #tpu.memory_space<vmem>>) attributes {dimension_semantics = [], scalar_prefetch = 0 : i64, scratch_operands = 0 : i64, tpu.core_type = #tpu.core_type<tc>} {
    %get3A = arith.constant 0 : index
    %get3A_0 = arith.constant 0 : index
    %get3A_1 = vector.load %arg0[%get3A, %get3A_0] : memref<1000x100xf32, #tpu.memory_space<vmem>>, vector<1000x100xf32>
    %get3A_2 = arith.constant 0 : index
    %get3A_3 = arith.constant 0 : index
    %get3A_4 = vector.load %arg1[%get3A_2, %get3A_3] : memref<24x100xf32, #tpu.memory_space<vmem>>, vector<24x100xf32>
    %transpose3A = tpu.transpose %get3A_4, [1, 0] : vector<24x100xf32> -> vector<100x24xf32>
    %dot_general3A = arith.constant dense<0.000000e+00> : vector<1000x24xf32>
    %dot_general3A_5 = tpu.matmul %get3A_1, %transpose3A, %dot_general3A {dimension_numbers = #tpu.dot_dimension_numbers<[1], [0], [0], [1], [0, 0, 1, 1], [], []>, transpose_lhs_hint = false} : vector<1000x100xf32>, vector<100x24xf32>, vector<1000x24xf32> -> vector<1000x24xf32>
    %mul3A = arith.constant 5.000000e-03 : f32
    %mul3A_6 = vector.broadcast %mul3A : f32 to vector<1000x24xf32>
    %mul3A_7 = arith.mulf %dot_general3A_5, %mul3A_6 : vector<1000x24xf32>
    %get3A_8 = arith.constant 0 : index
    %get3A_9 = arith.constant 0 : index
    %get3A_10 = vector.load %arg2[%get3A_8, %get3A_9] : memref<8x24xf32, #tpu.memory_space<vmem>>, vector<8x24xf32>
    %concatenate3A = tpu.concatenate %mul3A_7, %get3A_10 in 0 : vector<1000x24xf32>, vector<8x24xf32> -> vector<1008x24xf32>
    %swap3A = arith.constant 0 : index
    %swap3A_11 = arith.constant 0 : index
    %swap3A_12 = vector.load %arg3[%swap3A, %swap3A_11] : memref<1008x24xf32, #tpu.memory_space<vmem>>, vector<1008x24xf32>
    tpu.vector_store %arg3[%swap3A, %swap3A_11], %concatenate3A {strides = array<i32>} : memref<1008x24xf32, #tpu.memory_space<vmem>>, vector<1008x24xf32>,
    return
  }
}

</mosaic_0001>

<sc_bundles>
// kernel: kernel.4.cloned.1.call-start
scs
__scs_entry_jumppad:
0x0: {  	(pc) =	sbr.rel $0x88, $3  }
0x1: {  	(tag) =	ssettag $0x0;
	lr =	simm.s32 $0x1  }
0x2: {  	[smem:$0x3F9D] =	sst lr;
	_ =	strace $0xD0000000  }
0x3: {  	_ = 	snop  }
0x4: {  	_ = 	snop  }
0x5: {  	_ = 	snop  }
0x6: {  	_ = 	snop  }
0x7: {  	_ = 	snop  }
__scs_overlays_trampoline_lowered:
0x8: {  	[smem:$0x3FAC] =	sst s0  }
0x9: {  	[smem:$0x3FAD] =	sst s1  }
0xa: {  	[smem:$0x3FAE] =	sst s2  }
0xb: {  	[smem:$0x3FAF] =	sst s3  }
0xc: {  	[smem:$0x3FB0] =	sst s4  }
0xd: {  	[smem:$0x3FB1] =	sst s5  }
0xe: {  	[smem:$0x3FB2] =	sst s6  }
0xf: {  	[smem:$0x3FB3] =	sst s7  }
0x10: {  	[smem:$0x3FB4] =	sst s8  }
0x11: {  	[smem:$0x3FB5] =	sst s9;
	s0 =	simm.s32 @!p0 $0x0  }
0x12: {  	s1 =	sld [smem:$0x3F9B];
	s0 =	simm.s32 @p0 $0x1  }
0x13: {  	[smem:$0x3FB6] =	sst s0;
	s0 =	simm.s32 @!p1 $0x0  }
0x14: {  	s2 =	sld [smem:$0x3F9A];
	s0 =	simm.s32 @p1 $0x1  }
0x15: {  	[smem:$0x3FB7] =	sst s0;
	s0 =	simm.s32 @!p2 $0x0  }
0x16: {  	s3 =	sld [smem:$0x3FDB];
	s0 =	simm.s32 @p2 $0x1  }
0x17: {  	s4 =	simm.s32 $0x1BF5;
	[smem:$0x3FB9] =	sst s0  }
0x18: {  	s0 =	sld [smem:$0x3F9C];
	_ =	swait.ge [sflag:s4], $0x0  }
0x19: {  	s7 =	sld [smem:$0x3F9D]  }
0x1a: {  	s8 =	sadd.s32 $0xFFFFE003, lr  }
0x1b: {  	s9 =	sadd.s32 $0xFFFFFEF7, lr;
	s5 =	simm.s32 $0xFFFFFFFF;
	p2 =	slt.u32 s8, $0xFFFFF086  }
0x1c: {  	p1 =	slt.u32 s9, $0xF7A;
	s5 =	simm.s32 @!p2 $0x0  }
0x1d: {  	s5 =	simm.s32 @p1 $0x1;
	p0 =	seq.s32 s7, s2  }
0x1e: {  	s7 =	smul.u32 @!p0 $0xF7A, s2;
	p2 =	seq.s32 @!p0 s5, $0x0  }
0x1f: {  	s9 =	smul.u32 $0xF7A, s1;
	s8 =	simm.s32 @!p0 $0x1BF5;
	p2 =	por !p2, p0  }
0x20: {  	[sflag:s8] =	ssyncset.s32 @!p0 $0xFFFFF086;
	s6 =	sadd.s32 @!p0 s3, s7;
	s7 =	simm.s32 @!p0 $0x108  }
0x21: {  	s3 =	sadd.s32 s3, s9;
	s6 =	sadd.s32 @!p0 $0x88, s6;
	s7 =	simm.s32 @p2 $0x1082  }
0x22: {  	[simem:s7], [sflag:s8] =	dma.local @!p0 [hbm:s6], $0xF7A  }
0x23: {  	s9 =	sor.u32 $0xD0000000, s2;
	s6 =	simm.s32 $0x108;
	_ =	swait.ge @!p0 [sflag:s8], $0x0  }
0x24: {  	s3 =	sadd.s32 $0x88, s3;
	s6 =	simm.s32 @!p1 $0x1082;
	[sflag:s4] =	ssyncset.s32 $0xFFFFF086  }
0x25: {  	[simem:s6], [sflag:s4] =	dma.local [hbm:s3], $0xF7A  }
0x26: {  	[smem:$0x3F9D] =	sst s1;
	(tag) =	ssettag s2;
	_ =	strace s9  }
0x27: {  	s1 =	sld [smem:$0x3FAD]  }
0x28: {  	s2 =	sld [smem:$0x3FAE]  }
0x29: {  	s4 =	sld [smem:$0x3FB0]  }
0x2a: {  	p0 =	seq.s32 s5, $0x0;
	s5 =	sld [smem:$0x3FB1]  }
0x2b: {  	s6 =	sld [smem:$0x3FB2]  }
0x2c: {  	s7 =	sld [smem:$0x3FB3]  }
0x2d: {  	s3 =	simm.s32 $0x108;
	s8 =	sld [smem:$0x3FB4]  }
0x2e: {  	s3 =	simm.s32 @!p0 $0x1082;
	s9 =	sld [smem:$0x3FB5]  }
0x2f: {  	lr =	sadd.s32 s0, s3;
	s0 =	sld [smem:$0x3FAC]  }
0x30: {  	s3 =	sld [smem:$0x3FAF]  }
0x31: {  	[smem:$0x3FB8] =	sst s10  }
0x32: {  	s10 =	sld [smem:$0x3FB6];
	_ =	sdelay $0x3  }
0x33: {  	p0 =	seq.s32 s10, $0x1;
	s10 =	sld [smem:$0x3FB8];
	_ =	sdelay $0x3  }
0x34: {  	[smem:$0x3FB8] =	sst s10  }
0x35: {  	s10 =	sld [smem:$0x3FB7];
	_ =	sdelay $0x3  }
0x36: {  	p1 =	seq.s32 s10, $0x1;
	s10 =	sld [smem:$0x3FB8];
	_ =	sdelay $0x3  }
0x37: {  	[smem:$0x3FB8] =	sst s10  }
0x38: {  	s10 =	sld [smem:$0x3FB9]  }
0x39: {  	_ = 	snop;
	(pc) =	sbr.ind lr, $3  }
0x3a: {  	_ = 	snop  }
0x3b: {  	_ = 	snop  }
0x3c: {  	p2 =	seq.s32 s10, $0x1;
	s10 =	sld [smem:$0x3FB8]  }
0x3d: {  	_ =	shalt  }
0x3e: {  	_ =	shalt  }
0x3f: {  	_ =	shalt  }
0x40: {  	_ =	shalt  }
0x41: {  	_ =	shalt  }
0x42: {  	_ =	shalt  }
0x43: {  	_ =	shalt  }
0x44: {  	_ =	shalt  }
0x45: {  	_ =	shalt  }
0x46: {  	_ =	shalt  }
0x47: {  	_ =	shalt  }
0x48: {  	_ =	shalt  }
0x49: {  	_ =	shalt  }
0x4a: {  	_ =	shalt  }
0x4b: {  	_ =	shalt  }
0x4c: {  	_ =	shalt  }
0x4d: {  	_ =	shalt  }
0x4e: {  	_ =	shalt  }
0x4f: {  	_ =	shalt  }
0x50: {  	_ =	shalt  }
0x51: {  	_ =	shalt  }
0x52: {  	_ =	shalt  }
0x53: {  	_ =	shalt  }
0x54: {  	_ =	shalt  }
0x55: {  	_ =	shalt  }
0x56: {  	_ =	shalt  }
0x57: {  	_ =	shalt  }
0x58: {  	_ =	shalt  }
0x59: {  	_ =	shalt  }
0x5a: {  	_ =	shalt  }
0x5b: {  	_ =	shalt  }
0x5c: {  	_ =	shalt  }
0x5d: {  	_ =	shalt  }
0x5e: {  	_ =	shalt  }
0x5f: {  	_ =	shalt  }
0x60: {  	_ =	shalt  }
0x61: {  	_ =	shalt  }
0x62: {  	_ =	shalt  }
0x63: {  	_ =	shalt  }
0x64: {  	_ =	shalt  }
0x65: {  	_ =	shalt  }
0x66: {  	_ =	shalt  }
0x67: {  	_ =	shalt  }
0x68: {  	_ =	shalt  }
0x69: {  	_ =	shalt  }
0x6a: {  	_ =	shalt  }
0x6b: {  	_ =	shalt  }
0x6c: {  	_ =	shalt  }
0x6d: {  	_ =	shalt  }
0x6e: {  	_ =	shalt  }
0x6f: {  	_ =	shalt  }
0x70: {  	_ =	shalt  }
0x71: {  	_ =	shalt  }
0x72: {  	_ =	shalt  }
0x73: {  	_ =	shalt  }
0x74: {  	_ =	shalt  }
0x75: {  	_ =	shalt  }
0x76: {  	_ =	shalt  }
0x77: {  	_ =	shalt  }
0x78: {  	_ =	shalt  }
0x79: {  	_ =	shalt  }
0x7a: {  	_ =	shalt  }
0x7b: {  	_ =	shalt  }
0x7c: {  	_ =	shalt  }
0x7d: {  	_ =	shalt  }
0x7e: {  	_ =	shalt  }
0x7f: {  	_ =	shalt  }
0x80: {  	_ =	shalt  }
0x81: {  	_ =	shalt  }
0x82: {  	_ =	shalt  }
0x83: {  	_ =	shalt  }
0x84: {  	_ =	shalt  }
0x85: {  	_ =	shalt  }
0x86: {  	_ =	shalt  }
0x87: {  	_ =	shalt  }
.Lfunc_end0:
.L_simem_size_0:
called_computation_lowered:
.L_overlay_start_0:
0x88: {  	s2 =	sld [smem:$0x3FD9]  }
0x89: {  	s3 =	sld [smem:$0x3FFE];
	_ =	sdelay $0x1  }
0x8a: {  	s1 =	srdreg.scid  }
0x8b: {  	s0 =	sand.u32 $0x1, s1  }
0x8c: {  	s17 =	sshll.u32 s0, $0xA;
	s2 =	sadd.s32 s3, s2  }
0x8d: {  	s2 =	sadd.s32 s2, s17  }
0x8e: {  	[smem:$0x3FC4] =	sst s2  }
0x8f: {  	_ = 	snop  }
0x90: {  	s2 =	sld [smem:$0x3FD0];
	(tm) =	ssettm $0x1  }
0x91: {  	s18 =	sld [smem:$0x3FFB];
	_ =	sdelay $0x3  }
0x92: {  	_ =	strace s18  }
0x93: {  	s3 =	sld [smem:$0x3FFC];
	_ =	sdelay $0x3  }
0x94: {  	_ =	strace s3  }
0x95: {  	s3 =	sld [smem:$0x3FFD];
	_ =	sdelay $0x3  }
0x96: {  	_ =	strace s3  }
0x97: {  	_ =	strace $0x8FFFFFFF  }
0x98: {  	s19 =	sld [smem:$0x3FDB];
	_ =	sdelay $0x1  }
0x99: {  	s4 =	simm.s32 $_scs_section_size  }
0x9a: {  	s5 =	simm.s32 $_size__tile_overlayer_lowered;
	s6 =	simm.s32 $_tile_overlayer_lowered  }
0x9b: {  	s22 =	simm.s32 $0x1BFF;
	s21 =	sshll.u32 s6, $0x1;
	s3 =	sadd.s32 s4, s19  }
0x9c: {  	s7 =	simm.s32 $0x0;
	s20 =	sshll.u32 s5, $0x1;
	s5 =	sadd.s32 s21, s3  }
0x9d: {  	[timem:s7], [sflag:s22] =	dma.local [hbm:s5], s20  }
0x9e: {  	_ =	swait.ge [sflag:s22], s20  }
0x9f: {  	s4 =	ssub.s32 $0x0, s20;
	[sflag:s22] =	ssyncset.done $0x0  }
0xa0: {  	[sflag:s22] =	ssyncadd.s32 s4;
	_ =	sdelay $0x1  }
0xa1: {  	s23 =	simm.s32 $0x1B8B  }
0xa2: {  	_ =	swait.ge [sflag:s23], $0x1  }
0xa3: {  	[sflag:s23] =	ssyncset.done $0x0  }
0xa4: {  	s25 =	simm.s32 $0x1B8E;
	s24 =	sld [smem:$0x3FFE];
	[sflag:s23] =	ssyncadd.s32 $0xFFFFFFFF  }
0xa5: {  	s26 =	simm.s32 $execute0_lowered;
	[smem:$0x3FD2] =	sst s25  }
0xa6: {  	s5 =	sshll.u32 s26, $0x1;
	_ =	strace $0x80000046;
	[dreg:$0x1] =	wrdreg $0xFFFFFFFF  }
0xa7: {  	s28 =	simm.s32 $_size_execute0_lowered;
	s3 =	sadd.s32 s3, s5;
	[dreg:$0x0] =	wrdreg $0x0  }
0xa8: {  	s5 =	sshll.u32 s28, $0x1;
	[dreg:$0x2] =	wrdreg s3  }
0xa9: {  	[dreg:$0x3] =	wrdreg s5  }
0xaa: {  	[dreg:$0x4] =	wrdreg $0xC0  }
0xab: {  	_ =	task [dreg:s7], $0x5FFFF  }
0xac: {  	[dreg:$0x1] =	wrdreg $0xFFFFFFFF  }
0xad: {  	[dreg:$0x0] =	wrdreg $0x60  }
0xae: {  	[dreg:$0x2] =	wrdreg s24  }
0xaf: {  	[dreg:$0x3] =	wrdreg s2  }
0xb0: {  	[dreg:$0x4] =	wrdreg $0x9  }
0xb1: {  	_ =	task.clear_ibuf [dreg:s7], $0x5FFFF;
	_ =	strace $0x90000046  }
0xb2: {  	s29 =	simm.s32 $0x9;
	_ =	strace $0x80000048  }
0xb3: {  	_ =	swait.ge [sflag:s29], $0x1  }
0xb4: {  	[sflag:s29] =	ssyncadd.s32 $0xFFFFFFFF  }
0xb5: {  	_ =	strace $0x90000048  }
0xb6: {  	_ =	sfence  }
0xb7: {  	s30 =	sld [smem:$0x0];
	_ =	sdelay $0x2  }
0xb8: {  	s31 =	sshll.u32 s1, $0xD;
	s1 =	sshrl.u32 s1, $0x2  }
0xb9: {  	s3 =	sand.u32 $0x4000, s31;
	s1 =	sadd.s32 s1, s30  }
0xba: {  	s0 =	sor.u32 s3, s0;
	s1 =	sshll.u32 s1, $0x11  }
0xbb: {  	s0 =	sor.u32 s1, s0  }
0xbc: {  	s0 =	sadd.s32 $0x8F2B, s0  }
0xbd: {  	[sflag:s0] =	ssyncadd.remote.s32 $0x1  }
0xbe: {  	_ =	sfence.sel $0xFFFF  }
0xbf: {  	[dreg:$0x0] =	wrdreg $0xFFFFFFFF;
	(pc) =	sbr.abs _section_cstart, $3  }
0xc0: {  	[dreg:$0x1] =	wrdreg $0xFFFFFFFF  }
0xc1: {  	_ =	task.clear_ibuf [dreg:s7], $0x2FFFF;
	_ =	strace $0x9FFFFFFF  }
0xc2: {  	(tm) =	ssettm $0x7FFFFFFF  }
0xc3: {  	_ =	shalt  }
tec
execute0_lowered:
.L_overlay_start_1:
0x0: {  	(tag) =	ssettag $0x1  }
0x1: {  	v1 =	vlaneseq.u32  }
0x2: {  	v19 =	vmul.u32 $0x18, v1;
	_ =	sdelay $0x1  }
0x3: {  	v0 =	vmul.u32 $0xC8, v1;
	v1 =	vor.u32 $0x1, v19  }
0x4: {  	s4 =	rddreg [dreg:$0x0];
	[tilespmem:$0x1FF50] =	vst v1;
	v1 =	vor.u32 $0x2, v19  }
0x5: {  	s2 =	rddreg [dreg:$0x1];
	s3 =	simm.s32 $0x0;
	[tilespmem:$0x1FF60] =	vst v1;
	v1 =	vor.u32 $0x3, v19  }
0x6: {  	s1 =	srdreg.scid;
	[smem:$0x7FF] =	sst s3;
	[tilespmem:$0x1FF70] =	vst v1;
	v1 =	vor.u32 $0x4, v19  }
0x7: {  	s5 =	sand.u32 $0x1, s1;
	s1 =	rddreg [dreg:$0x2];
	_ =	strace $0x80000047;
	[tilespmem:$0x1FF80] =	vst v1;
	v1 =	vor.u32 $0x5, v19  }
0x8: {  	s0 =	stileid.u32;
	[tilespmem:$0x1FF90] =	vst v1;
	v1 =	vor.u32 $0x6, v19  }
0x9: {  	s9 =	simm.s32 $0x5E80;
	s10 =	simm.s32 $0x1EE90;
	s31 =	sshll.u32 s0, $0x1;
	[tilespmem:$0x1FFA0] =	vst v1;
	v1 =	vor.u32 $0x7, v19  }
0xa: {  	s11 =	simm.s32 $0x1F010;
	s12 =	simm.s32 $0x1;
	s6 =	sor.u32 s5, s31;
	[tilespmem:$0x1FFB0] =	vst v1;
	v1 =	vadd.s32 $0x8, v19  }
0xb: {  	v32 =	vimm.s32 $0x5DC0;
	v33 =	vimm.s32 $0x5DC1;
	s13 =	simm.s32 $0x2;
	s5 =	ssub.s32 $0x2, s5;
	s7 =	smul.u32 $0x3200, s6;
	[tilespmem:$0x1FFC0] =	vst v1;
	v1 =	vadd.s32 $0x9, v19  }
0xc: {  	s14 =	simm.s32 $0x0;
	s8 =	sshrl.u32 s5, $0x1;
	s6 =	sshll.u32 s6, $0x9;
	v34 =	vadd.s32 $0xC, v19;
	v35 =	vadd.s32 $0xD, v19;
	[tilespmem:$0x1FFD0] =	vst v1;
	v1 =	vadd.s32 $0xA, v19  }
0xd: {  	v36 =	vadd.s32 $0xE, v19;
	v37 =	vadd.s32 $0xF, v19;
	s8 =	ssub.s32 s5, s8;
	s7 =	sadd.s32 s7, s4;
	s4 =	sadd.s32 $0x64600, s4;
	[tilespmem:$0x1FFE0] =	vst v1;
	v1 =	vadd.s32 $0xB, v19  }
0xe: {  	v38 =	vadd.s32 $0x10, v19;
	v39 =	vadd.s32 $0x11, v19;
	v40 =	vadd.s32 $0x12, v19;
	s5 =	sadd.s32 $0x600, s7;
	s7 =	smax.u32 s8, $0x1;
	s8 =	simm.s32 $0x3;
	[tilespmem:$0x1FFF0] =	vst v1  }
.LBB2_1:
0xf: {  	[tilespmem:s3], [sflag:$0x3] =	stream.linear.gather [hbm4b:s4+s3], $0x5E80, $0x38;
	[tilespmem:$0x1F190] =	vst v63  }
0x10: {  	_ =	swait.ge [sflag:s8], $0x5E80  }
0x11: {  	[sflag:s8] =	ssyncset.done $0x0  }
0x12: {  	[sflag:s8] =	ssyncadd.s32 $0xFFFFA180  }
0x13: {  	[tilespmem:s9], [sflag:$0x3] =	stream.linear.gather [hbm4b:s5+s3], $0x19000, $0x38;
	[tilespmem:$0x1F190] =	vst v63  }
0x14: {  	_ =	swait.ge [sflag:s8], $0x19000  }
0x15: {  	s15 =	simm.s32 $0xC81;
	[sflag:s8] =	ssyncset.done $0x0  }
0x16: {  	s16 =	simm.s32 $0x0;
	s17 =	simm.s32 $0x0;
	[sflag:s8] =	ssyncadd.s32 $0xFFFE7000  }
.LBB2_2:
0x17: {  	v9 =	vimm.s32 $0x5DC7;
	_ =	sdelay $0x4  }
0x18: {  	v10 =	vld.idx.msk [tilespmem:v9+s3+$0x0], $0xffff;
	v9 =	vimm.s32 $0x5DC8;
	_ =	sdelay $0x4  }
0x19: {  	v11 =	vld.idx.msk [tilespmem:v9+s3+$0x0], $0xffff;
	v9 =	vimm.s32 $0x5DC9;
	_ =	sdelay $0x4  }
0x1a: {  	v59 =	vld.idx.msk [tilespmem:v9+s3+$0x0], $0xffff;
	v9 =	vimm.s32 $0x5DCA;
	_ =	sdelay $0x4  }
0x1b: {  	v51 =	vld.idx.msk [tilespmem:v9+s3+$0x0], $0xffff;
	v9 =	vimm.s32 $0x5DCB;
	_ =	sdelay $0x4  }
0x1c: {  	v50 =	vld.idx.msk [tilespmem:v9+s3+$0x0], $0xffff;
	v9 =	vimm.s32 $0x5DCC;
	_ =	sdelay $0x4  }
0x1d: {  	s18 =	smul.u32 $0x1900, s17;
	v48 =	vld.idx.msk [tilespmem:v9+s3+$0x0], $0xffff;
	v9 =	vimm.s32 $0x5DCD  }
0x1e: {  	v4 =	vimm.s32 $0x5DC2  }
0x1f: {  	v1 =	vadd.s32 s18, v0  }
0x20: {  	v2 =	vld.idx.msk [tilespmem:v32+s3+$0x0], $0xffff;
	v5 =	vimm.s32 $0x5DC3  }
0x21: {  	v3 =	vld.idx.msk [tilespmem:v33+s3+$0x0], $0xffff;
	v6 =	vimm.s32 $0x5DC4  }
0x22: {  	v47 =	vld.idx.msk [tilespmem:v9+s3+$0x0], $0xffff;
	v9 =	vimm.s32 $0x5DCE  }
0x23: {  	v7 =	vimm.s32 $0x5DC5;
	v4 =	vld.idx.msk [tilespmem:v4+s3+$0x0], $0xffff  }
0x24: {  	v8 =	vimm.s32 $0x5DC6;
	v1 =	vld.idx.msk [tilespmem:v1+s9+$0x0], $0xffff  }
0x25: {  	v13 =	vimm.s32 $0x5DD3;
	v5 =	vld.idx.msk [tilespmem:v5+s3+$0x0], $0xffff  }
0x26: {  	v29 =	vimm.s32 $0x5DD4;
	v6 =	vld.idx.msk [tilespmem:v6+s3+$0x0], $0xffff  }
0x27: {  	s31 =	sadd.s32 $0x1, s16;
	v46 =	vld.idx.msk [tilespmem:v9+s3+$0x0], $0xffff;
	v9 =	vimm.s32 $0x5DCF  }
0x28: {  	v31 =	vadd.s32 s31, v0;
	v7 =	vld.idx.msk [tilespmem:v7+s3+$0x0], $0xffff  }
0x29: {  	v8 =	vld.idx.msk [tilespmem:v8+s3+$0x0], $0xffff;
	v12 =	vmul.u32 $0x18, v1;
	v1 =	vimm.s32 $0x5DD0  }
0x2a: {  	v42 =	vld.idx.msk [tilespmem:v13+s3+$0x0], $0xffff  }
0x2b: {  	v52 =	vld.idx.msk [tilespmem:v29+s3+$0x0], $0xffff;
	v49 =	vor.u32 $0x2, v12  }
0x2c: {  	v45 =	vld.idx.msk [tilespmem:v9+s3+$0x0], $0xffff;
	v9 =	vimm.s32 $0x5DD2  }
0x2d: {  	v13 =	vld.idx.msk [tilespmem:v31+s9+$0x0], $0xffff;
	v53 =	vor.u32 $0x3, v12  }
0x2e: {  	v44 =	vld.idx.msk [tilespmem:v1+s3+$0x0], $0xffff;
	v1 =	vimm.s32 $0x5DD1  }
0x2f: {  	v54 =	vor.u32 $0x4, v12;
	v55 =	vld.idx.msk [tilespmem:v12+s3+$0x0], $0xffff  }
0x30: {  	v56 =	vor.u32 $0x5, v12;
	v61 =	vld.idx.msk [tilespmem:v49+s3+$0x0], $0xffff  }
0x31: {  	v41 =	vld.idx.msk [tilespmem:v9+s3+$0x0], $0xffff;
	v9 =	vor.u32 $0x1, v12  }
0x32: {  	v57 =	vor.u32 $0x6, v12;
	v62 =	vld.idx.msk [tilespmem:v53+s3+$0x0], $0xffff  }
0x33: {  	v43 =	vld.idx.msk [tilespmem:v1+s3+$0x0], $0xffff;
	v1 =	vadd.s32 $0x14, v12  }
0x34: {  	v58 =	vor.u32 $0x7, v12;
	v63 =	vld.idx.msk [tilespmem:v54+s3+$0x0], $0xffff  }
0x35: {  	v60 =	vadd.s32 $0x9, v12;
	v56 =	vld.idx.msk [tilespmem:v56+s3+$0x0], $0xffff  }
0x36: {  	v30 =	vadd.s32 $0x8, v12;
	v9 =	vld.idx.msk [tilespmem:v9+s3+$0x0], $0xffff  }
0x37: {  	v14 =	vadd.s32 $0xA, v12;
	v57 =	vld.idx.msk [tilespmem:v57+s3+$0x0], $0xffff  }
0x38: {  	v15 =	vadd.s32 $0xB, v12;
	v1 =	vld.idx.msk [tilespmem:v1+s3+$0x0], $0xffff  }
0x39: {  	v58 =	vld.idx.msk [tilespmem:v58+s3+$0x0], $0xffff;
	v53 =	vadd.f32 v55, v2;
	v2 =	vadd.s32 $0xD, v12  }
0x3a: {  	v16 =	vadd.s32 $0xC, v12;
	v18 =	vld.idx.msk [tilespmem:v60+s3+$0x0], $0xffff  }
0x3b: {  	v17 =	vld.idx.msk [tilespmem:v30+s3+$0x0], $0xffff;
	v54 =	vadd.f32 v61, v4;
	v60 =	vadd.f32 v9, v3;
	v3 =	vadd.s32 $0xE, v12  }
0x3c: {  	v61 =	vadd.f32 v62, v5;
	v55 =	vadd.f32 v63, v6;
	v62 =	vld.idx.msk [tilespmem:v14+s3+$0x0], $0xffff;
	v9 =	vadd.s32 $0xF, v12  }
0x3d: {  	v63 =	vld.idx.msk [tilespmem:v15+s3+$0x0], $0xffff;
	v49 =	vadd.f32 v1, v52;
	v52 =	vadd.f32 v57, v8;
	v8 =	vadd.s32 $0x10, v12  }
0x3e: {  	v56 =	vadd.f32 v56, v7;
	v5 =	vadd.s32 $0x11, v12;
	v2 =	vld.idx.msk [tilespmem:v2+s3+$0x0], $0xffff  }
0x3f: {  	v59 =	vadd.f32 v18, v59;
	v6 =	vadd.s32 $0x12, v12;
	v4 =	vadd.s32 $0x13, v12;
	v1 =	vld.idx.msk [tilespmem:v16+s3+$0x0], $0xffff  }
0x40: {  	s19 =	simm.s32 $0x3;
	s18 =	simm.s32 $0x2;
	v7 =	vmul.u32 $0x18, v13;
	v57 =	vadd.f32 v58, v10;
	v58 =	vadd.f32 v17, v11;
	v3 =	vld.idx.msk [tilespmem:v3+s3+$0x0], $0xffff  }
.LBB2_3:
0x41: {  	p0 =	sne.s32 s19, $0xC8;
	v10 =	vld.idx.msk [tilespmem:v9+s3+$0x0], $0xffff  }
0x42: {  	v11 =	vor.u32 $0x1, v7;
	v12 =	vor.u32 $0x2, v7;
	v13 =	vadd.s32 $0x14, v7;
	v14 =	vld.idx.msk [tilespmem:v8+s3+$0x0], $0xffff  }
0x43: {  	v15 =	vor.u32 $0x3, v7;
	v16 =	vor.u32 $0x4, v7;
	v17 =	vor.u32 $0x5, v7;
	v18 =	vld.idx.msk [tilespmem:v5+s3+$0x0], $0xffff  }
0x44: {  	v20 =	vor.u32 $0x6, v7;
	v21 =	vor.u32 $0x7, v7;
	v22 =	vadd.s32 $0x8, v7;
	v23 =	vld.idx.msk [tilespmem:v6+s3+$0x0], $0xffff  }
0x45: {  	v24 =	vadd.s32 $0x9, v7;
	v25 =	vadd.s32 $0xA, v7;
	v26 =	vadd.s32 $0xB, v7;
	v27 =	vld.idx.msk [tilespmem:v4+s3+$0x0], $0xffff  }
0x46: {  	v29 =	vadd.s32 $0xC, v7;
	v30 =	vadd.s32 $0xD, v7;
	v31 =	vadd.s32 $0xE, v7;
	v28 =	vld.idx.msk [tilespmem:v7+s3+$0x0], $0xffff  }
0x47: {  	v9 =	vadd.s32 $0xF, v7;
	v8 =	vadd.s32 $0x10, v7;
	v5 =	vadd.s32 $0x11, v7;
	v13 =	vld.idx.msk [tilespmem:v13+s3+$0x0], $0xffff  }
0x48: {  	v51 =	vadd.f32 v62, v51;
	v6 =	vadd.s32 $0x12, v7;
	v4 =	vadd.s32 $0x13, v7;
	v11 =	vld.idx.msk [tilespmem:v11+s3+$0x0], $0xffff  }
0x49: {  	v50 =	vadd.f32 v63, v50;
	v48 =	vadd.f32 v1, v48;
	v7 =	vld.idx.msk [tilespmem:v12+s3+$0x0], $0xffff  }
0x4a: {  	v47 =	vadd.f32 v2, v47;
	v46 =	vadd.f32 v3, v46;
	v1 =	vld.idx.msk [tilespmem:v15+s3+$0x0], $0xffff  }
0x4b: {  	s20 =	sadd.s32 s18, s16;
	s18 =	smov.u32 s19;
	v45 =	vadd.f32 v10, v45;
	v44 =	vadd.f32 v14, v44;
	v2 =	vld.idx.msk [tilespmem:v16+s3+$0x0], $0xffff  }
0x4c: {  	v3 =	vadd.s32 s20, v0;
	v43 =	vadd.f32 v18, v43;
	v41 =	vadd.f32 v23, v41;
	v10 =	vld.idx.msk [tilespmem:v17+s3+$0x0], $0xffff  }
0x4d: {  	v42 =	vadd.f32 v27, v42;
	v49 =	vadd.f32 v13, v49;
	v12 =	vld.idx.msk [tilespmem:v20+s3+$0x0], $0xffff  }
0x4e: {  	v53 =	vadd.f32 v28, v53;
	v60 =	vadd.f32 v11, v60;
	v11 =	vld.idx.msk [tilespmem:v21+s3+$0x0], $0xffff  }
0x4f: {  	v54 =	vadd.f32 v7, v54;
	v7 =	vld.idx.msk [tilespmem:v22+s3+$0x0], $0xffff  }
0x50: {  	v61 =	vadd.f32 v1, v61;
	v13 =	vld.idx.msk [tilespmem:v24+s3+$0x0], $0xffff  }
0x51: {  	v55 =	vadd.f32 v2, v55;
	v3 =	vld.idx.msk [tilespmem:v3+s9+$0x0], $0xffff  }
.Ltmp0:
0x52: {  	v56 =	vadd.f32 v10, v56;
	v62 =	vld.idx.msk [tilespmem:v25+s3+$0x0], $0xffff;
	(pc) =	sbr.rel @p0 .LBB2_3-.Ltmp0, $4  }
0x53: {  	v52 =	vadd.f32 v12, v52;
	v63 =	vld.idx.msk [tilespmem:v26+s3+$0x0], $0xffff  }
0x54: {  	v57 =	vadd.f32 v11, v57;
	v1 =	vld.idx.msk [tilespmem:v29+s3+$0x0], $0xffff  }
0x55: {  	v58 =	vadd.f32 v7, v58;
	v2 =	vld.idx.msk [tilespmem:v30+s3+$0x0], $0xffff  }
0x56: {  	s19 =	sadd.s32 $0x1, s19;
	v59 =	vadd.f32 v13, v59;
	v7 =	vmul.u32 $0x18, v3;
	v3 =	vld.idx.msk [tilespmem:v31+s3+$0x0], $0xffff  }
0x57: {  	_ =	sdelay $0x3  }
0x58: {  	v9 =	vld.idx.msk [tilespmem:v9+s3+$0x0], $0xffff  }
0x59: {  	v8 =	vld.idx.msk [tilespmem:v8+s3+$0x0], $0xffff  }
0x5a: {  	v5 =	vld.idx.msk [tilespmem:v5+s3+$0x0], $0xffff;
	v10 =	vadd.s32 $0x14, v7  }
0x5b: {  	v6 =	vld.idx.msk [tilespmem:v6+s3+$0x0], $0xffff;
	v11 =	vor.u32 $0x1, v7  }
0x5c: {  	v4 =	vld.idx.msk [tilespmem:v4+s3+$0x0], $0xffff;
	v12 =	vor.u32 $0x2, v7  }
0x5d: {  	v31 =	vld [tilespmem:$0x1FF50];
	v13 =	vor.u32 $0x3, v7  }
0x5e: {  	v14 =	vor.u32 $0x4, v7;
	v15 =	vld.idx.msk [tilespmem:v7+s3+$0x0], $0xffff  }
0x5f: {  	v16 =	vor.u32 $0x5, v7;
	v10 =	vld.idx.msk [tilespmem:v10+s3+$0x0], $0xffff  }
0x60: {  	v17 =	vor.u32 $0x6, v7;
	v11 =	vld.idx.msk [tilespmem:v11+s3+$0x0], $0xffff  }
0x61: {  	v18 =	vor.u32 $0x7, v7;
	v12 =	vld.idx.msk [tilespmem:v12+s3+$0x0], $0xffff  }
0x62: {  	v20 =	vadd.s32 $0x8, v7;
	v13 =	vld.idx.msk [tilespmem:v13+s3+$0x0], $0xffff  }
0x63: {  	v21 =	vadd.s32 $0x9, v7;
	v14 =	vld.idx.msk [tilespmem:v14+s3+$0x0], $0xffff  }
0x64: {  	v22 =	vadd.s32 $0xA, v7;
	v16 =	vld.idx.msk [tilespmem:v16+s3+$0x0], $0xffff  }
0x65: {  	v23 =	vadd.s32 $0xB, v7;
	v17 =	vld.idx.msk [tilespmem:v17+s3+$0x0], $0xffff  }
0x66: {  	v24 =	vadd.s32 $0xC, v7;
	v18 =	vld.idx.msk [tilespmem:v18+s3+$0x0], $0xffff  }
0x67: {  	v25 =	vadd.s32 $0xD, v7;
	v20 =	vld.idx.msk [tilespmem:v20+s3+$0x0], $0xffff  }
0x68: {  	v26 =	vadd.s32 $0xE, v7;
	v21 =	vld.idx.msk [tilespmem:v21+s3+$0x0], $0xffff  }
0x69: {  	v27 =	vadd.s32 $0xF, v7;
	v22 =	vld.idx.msk [tilespmem:v22+s3+$0x0], $0xffff  }
0x6a: {  	v28 =	vadd.s32 $0x10, v7;
	v23 =	vld.idx.msk [tilespmem:v23+s3+$0x0], $0xffff  }
0x6b: {  	v29 =	vadd.s32 $0x11, v7;
	v24 =	vld.idx.msk [tilespmem:v24+s3+$0x0], $0xffff  }
0x6c: {  	v30 =	vadd.s32 $0x12, v7;
	v25 =	vld.idx.msk [tilespmem:v25+s3+$0x0], $0xffff  }
0x6d: {  	v7 =	vadd.s32 $0x13, v7;
	v26 =	vld.idx.msk [tilespmem:v26+s3+$0x0], $0xffff  }
0x6e: {  	v27 =	vld.idx.msk [tilespmem:v27+s3+$0x0], $0xffff  }
0x6f: {  	v28 =	vld.idx.msk [tilespmem:v28+s3+$0x0], $0xffff  }
0x70: {  	v29 =	vld.idx.msk [tilespmem:v29+s3+$0x0], $0xffff  }
0x71: {  	v15 =	vadd.f32 v15, v53;
	v30 =	vld.idx.msk [tilespmem:v30+s3+$0x0], $0xffff  }
0x72: {  	v7 =	vld.idx.msk [tilespmem:v7+s3+$0x0], $0xffff;
	v11 =	vadd.f32 v11, v60  }
0x73: {  	v53 =	vld [tilespmem:$0x1FF60];
	[tilespmem:v19+s10+$0x0] =	vst.idx.msk $0xffff, v15  }
0x74: {  	[tilespmem:v31+s10+$0x0] =	vst.idx.msk $0xffff, v11;
	v11 =	vadd.f32 v14, v55;
	v55 =	vld [tilespmem:$0x1FF70]  }
0x75: {  	v60 =	vld [tilespmem:$0x1FF80];
	_ =	sdelay $0x3  }
0x76: {  	v12 =	vadd.f32 v12, v54;
	v13 =	vadd.f32 v13, v61;
	v61 =	vld [tilespmem:$0x1FF90]  }
0x77: {  	v54 =	vadd.f32 v16, v56;
	v56 =	vadd.f32 v17, v52;
	v52 =	vld [tilespmem:$0x1FFA0]  }
0x78: {  	v16 =	vld [tilespmem:$0x1FFB0];
	[tilespmem:v53+s10+$0x0] =	vst.idx.msk $0xffff, v12  }
0x79: {  	[tilespmem:v55+s10+$0x0] =	vst.idx.msk $0xffff, v13;
	v55 =	vld [tilespmem:$0x1FFC0]  }
0x7a: {  	[tilespmem:v60+s10+$0x0] =	vst.idx.msk $0xffff, v11;
	v11 =	vadd.f32 v18, v57;
	v57 =	vld [tilespmem:$0x1FFD0]  }
0x7b: {  	v31 =	vadd.f32 v62, v51;
	v51 =	vadd.f32 v20, v58;
	v58 =	vld [tilespmem:$0x1FFE0];
	_ =	sdelay $0x2  }
0x7c: {  	[tilespmem:v61+s10+$0x0] =	vst.idx.msk $0xffff, v54  }
0x7d: {  	[tilespmem:v52+s10+$0x0] =	vst.idx.msk $0xffff, v56  }
0x7e: {  	v54 =	vadd.f32 v21, v59;
	[tilespmem:v16+s10+$0x0] =	vst.idx.msk $0xffff, v11  }
0x7f: {  	v11 =	vadd.f32 v22, v31;
	[tilespmem:v55+s10+$0x0] =	vst.idx.msk $0xffff, v51  }
0x80: {  	[tilespmem:v57+s10+$0x0] =	vst.idx.msk $0xffff, v54  }
0x81: {  	[tilespmem:v58+s10+$0x0] =	vst.idx.msk $0xffff, v11;
	v11 =	vld [tilespmem:$0x1FFF0];
	_ =	sdelay $0x3  }
0x82: {  	v53 =	vadd.f32 v63, v50  }
0x83: {  	v1 =	vadd.f32 v1, v48  }
0x84: {  	v2 =	vadd.f32 v2, v47;
	v56 =	vadd.f32 v23, v53  }
0x85: {  	v3 =	vadd.f32 v3, v46;
	v1 =	vadd.f32 v24, v1  }
0x86: {  	v9 =	vadd.f32 v9, v45;
	v2 =	vadd.f32 v25, v2;
	[tilespmem:v11+s10+$0x0] =	vst.idx.msk $0xffff, v56  }
0x87: {  	v8 =	vadd.f32 v8, v44;
	v3 =	vadd.f32 v26, v3;
	[tilespmem:v34+s10+$0x0] =	vst.idx.msk $0xffff, v1  }
0x88: {  	v1 =	vadd.f32 v5, v43;
	v5 =	vadd.f32 v27, v9;
	[tilespmem:v35+s10+$0x0] =	vst.idx.msk $0xffff, v2  }
0x89: {  	v2 =	vadd.f32 v6, v41;
	v6 =	vadd.f32 v28, v8;
	v41 =	vadd.s32 $0x13, v19;
	[tilespmem:v36+s10+$0x0] =	vst.idx.msk $0xffff, v3  }
0x8a: {  	v3 =	vadd.f32 v4, v42;
	v1 =	vadd.f32 v29, v1;
	v42 =	vadd.s32 $0x14, v19;
	[tilespmem:v37+s10+$0x0] =	vst.idx.msk $0xffff, v5  }
0x8b: {  	s18 =	sshllo.u32 s17, $0x1;
	s20 =	sshll.u32 s17, $0x5;
	v2 =	vadd.f32 v30, v2;
	[tilespmem:v38+s10+$0x0] =	vst.idx.msk $0xffff, v6  }
0x8c: {  	s19 =	smul.u32 $0xC80, s18;
	s20 =	sadd.s32 s6, s20;
	v4 =	vadd.f32 v10, v49;
	v10 =	vimm.s32 $0x5DC8;
	v3 =	vadd.f32 v7, v3;
	[tilespmem:v39+s10+$0x0] =	vst.idx.msk $0xffff, v1  }
0x8d: {  	s29 =	smul.u32 $0x3, s20;
	[tilespmem:v40+s10+$0x0] =	vst.idx.msk $0xffff, v2  }
0x8e: {  	[tilespmem:v41+s10+$0x0] =	vst.idx.msk $0xffff, v3  }
0x8f: {  	s30 =	simm.s32 $0x0;
	v1 =	vadd.s32 s19, v0;
	s19 =	sadd.s32 s2, s29;
	[tilespmem:v42+s10+$0x0] =	vst.idx.msk $0xffff, v4  }
0x90: {  	[hbm4b:s19+s30] =	stream.linear.scatter [tilespmem:s10], [sflag:$0x1], $0x180, $0x38;
	[tilespmem:$0x1F190] =	vst v63  }
0x91: {  	v12 =	vld.idx.msk [tilespmem:v10+s30+$0x0], $0xffff;
	v10 =	vimm.s32 $0x5DC9;
	_ =	sdelay $0x4  }
0x92: {  	v13 =	vld.idx.msk [tilespmem:v10+s30+$0x0], $0xffff;
	v10 =	vimm.s32 $0x5DCA;
	_ =	sdelay $0x4  }
0x93: {  	v52 =	vld.idx.msk [tilespmem:v10+s30+$0x0], $0xffff;
	v10 =	vimm.s32 $0x5DCB;
	_ =	sdelay $0x4  }
0x94: {  	v51 =	vld.idx.msk [tilespmem:v10+s30+$0x0], $0xffff;
	v10 =	vimm.s32 $0x5DCC;
	_ =	sdelay $0x2  }
0x95: {  	v5 =	vimm.s32 $0x5DC3  }
0x96: {  	v6 =	vimm.s32 $0x5DC4;
	v1 =	vld.idx.msk [tilespmem:v1+s9+$0x0], $0xffff  }
0x97: {  	v50 =	vld.idx.msk [tilespmem:v10+s30+$0x0], $0xffff;
	v10 =	vimm.s32 $0x5DCD  }
0x98: {  	v7 =	vimm.s32 $0x5DC5;
	v2 =	vld.idx.msk [tilespmem:v32+s30+$0x0], $0xffff  }
0x99: {  	v8 =	vimm.s32 $0x5DC6;
	v3 =	vld.idx.msk [tilespmem:v33+s30+$0x0], $0xffff  }
0x9a: {  	v9 =	vimm.s32 $0x5DC7;
	v5 =	vld.idx.msk [tilespmem:v5+s30+$0x0], $0xffff  }
0x9b: {  	v11 =	vimm.s32 $0x5DD3;
	v6 =	vld.idx.msk [tilespmem:v6+s30+$0x0], $0xffff  }
0x9c: {  	v49 =	vld.idx.msk [tilespmem:v10+s30+$0x0], $0xffff;
	v10 =	vimm.s32 $0x5DCE  }
0x9d: {  	s31 =	sadd.s32 $0x0, s15;
	v59 =	vimm.s32 $0x5DD4;
	v7 =	vld.idx.msk [tilespmem:v7+s30+$0x0], $0xffff  }
0x9e: {  	v25 =	vadd.s32 s31, v0;
	v8 =	vld.idx.msk [tilespmem:v8+s30+$0x0], $0xffff  }
0x9f: {  	v4 =	vimm.s32 $0x5DC2;
	v9 =	vld.idx.msk [tilespmem:v9+s30+$0x0], $0xffff  }
0xa0: {  	v43 =	vld.idx.msk [tilespmem:v11+s30+$0x0], $0xffff;
	v14 =	vmul.u32 $0x18, v1;
	v1 =	vimm.s32 $0x5DD0  }
0xa1: {  	v48 =	vld.idx.msk [tilespmem:v10+s30+$0x0], $0xffff;
	v10 =	vimm.s32 $0x5DCF  }
0xa2: {  	v15 =	vld.idx.msk [tilespmem:v59+s30+$0x0], $0xffff  }
0xa3: {  	v25 =	vld.idx.msk [tilespmem:v25+s9+$0x0], $0xffff;
	v11 =	vor.u32 $0x2, v14  }
0xa4: {  	v4 =	vld.idx.msk [tilespmem:v4+s30+$0x0], $0xffff;
	v16 =	vor.u32 $0x3, v14  }
0xa5: {  	v17 =	vor.u32 $0x4, v14;
	v46 =	vld.idx.msk [tilespmem:v1+s30+$0x0], $0xffff  }
0xa6: {  	v47 =	vld.idx.msk [tilespmem:v10+s30+$0x0], $0xffff;
	v10 =	vimm.s32 $0x5DD2  }
0xa7: {  	v20 =	vor.u32 $0x5, v14;
	v18 =	vld.idx.msk [tilespmem:v14+s3+$0x0], $0xffff  }
0xa8: {  	v1 =	vimm.s32 $0x5DD1;
	v11 =	vld.idx.msk [tilespmem:v11+s3+$0x0], $0xffff  }
0xa9: {  	v60 =	vor.u32 $0x6, v14;
	v16 =	vld.idx.msk [tilespmem:v16+s3+$0x0], $0xffff  }
0xaa: {  	v61 =	vor.u32 $0x7, v14;
	v17 =	vld.idx.msk [tilespmem:v17+s3+$0x0], $0xffff  }
0xab: {  	v44 =	vld.idx.msk [tilespmem:v10+s30+$0x0], $0xffff;
	v10 =	vor.u32 $0x1, v14  }
0xac: {  	v62 =	vadd.s32 $0x8, v14;
	v20 =	vld.idx.msk [tilespmem:v20+s3+$0x0], $0xffff  }
0xad: {  	v45 =	vld.idx.msk [tilespmem:v1+s30+$0x0], $0xffff;
	v1 =	vadd.s32 $0x14, v14  }
0xae: {  	v63 =	vadd.s32 $0x9, v14;
	v21 =	vld.idx.msk [tilespmem:v60+s3+$0x0], $0xffff  }
0xaf: {  	v27 =	vadd.s32 $0xB, v14;
	v22 =	vld.idx.msk [tilespmem:v61+s3+$0x0], $0xffff  }
0xb0: {  	v32 =	vadd.s32 $0xD, v14;
	v10 =	vld.idx.msk [tilespmem:v10+s3+$0x0], $0xffff  }
0xb1: {  	v33 =	vadd.s32 $0xE, v14;
	v23 =	vld.idx.msk [tilespmem:v62+s3+$0x0], $0xffff  }
0xb2: {  	v26 =	vadd.s32 $0xA, v14;
	v1 =	vld.idx.msk [tilespmem:v1+s3+$0x0], $0xffff  }
0xb3: {  	v28 =	vadd.s32 $0xC, v14;
	v55 =	vadd.f32 v18, v2;
	v18 =	vld.idx.msk [tilespmem:v63+s3+$0x0], $0xffff;
	v56 =	vadd.f32 v11, v4  }
0xb4: {  	v2 =	vld.idx.msk [tilespmem:v27+s3+$0x0], $0xffff;
	v63 =	vadd.f32 v16, v5;
	v57 =	vadd.f32 v17, v6;
	v11 =	vadd.s32 $0xF, v14  }
0xb5: {  	v58 =	vadd.f32 v20, v7;
	v4 =	vld.idx.msk [tilespmem:v32+s3+$0x0], $0xffff;
	v62 =	vadd.f32 v10, v3;
	v10 =	vadd.s32 $0x10, v14  }
0xb6: {  	v54 =	vadd.f32 v21, v8;
	v59 =	vadd.f32 v22, v9;
	v7 =	vadd.s32 $0x11, v14;
	v5 =	vld.idx.msk [tilespmem:v33+s3+$0x0], $0xffff  }
0xb7: {  	v60 =	vadd.f32 v23, v12;
	v8 =	vadd.s32 $0x12, v14;
	v53 =	vadd.f32 v1, v15;
	v1 =	vld.idx.msk [tilespmem:v26+s3+$0x0], $0xffff  }
0xb8: {  	s20 =	simm.s32 $0x2;
	s19 =	simm.s32 $0x1;
	v6 =	vadd.s32 $0x13, v14;
	v9 =	vmul.u32 $0x18, v25;
	v61 =	vadd.f32 v18, v13;
	v3 =	vld.idx.msk [tilespmem:v28+s3+$0x0], $0xffff  }
.LBB2_5:
0xb9: {  	p0 =	sne.s32 s20, $0xC7;
	v12 =	vld.idx.msk [tilespmem:v11+s3+$0x0], $0xffff  }
0xba: {  	v13 =	vor.u32 $0x1, v9;
	v14 =	vor.u32 $0x2, v9;
	v15 =	vadd.s32 $0x14, v9;
	v16 =	vld.idx.msk [tilespmem:v10+s3+$0x0], $0xffff  }
0xbb: {  	v17 =	vor.u32 $0x3, v9;
	v18 =	vor.u32 $0x4, v9;
	v20 =	vor.u32 $0x5, v9;
	v21 =	vld.idx.msk [tilespmem:v7+s3+$0x0], $0xffff  }
0xbc: {  	v22 =	vor.u32 $0x6, v9;
	v23 =	vor.u32 $0x7, v9;
	v24 =	vadd.s32 $0x8, v9;
	v25 =	vld.idx.msk [tilespmem:v8+s3+$0x0], $0xffff  }
0xbd: {  	v26 =	vadd.s32 $0x9, v9;
	v27 =	vadd.s32 $0xA, v9;
	v28 =	vadd.s32 $0xB, v9;
	v29 =	vld.idx.msk [tilespmem:v6+s3+$0x0], $0xffff  }
0xbe: {  	v31 =	vadd.s32 $0xC, v9;
	v32 =	vadd.s32 $0xD, v9;
	v33 =	vadd.s32 $0xE, v9;
	v30 =	vld.idx.msk [tilespmem:v9+s3+$0x0], $0xffff  }
0xbf: {  	v11 =	vadd.s32 $0xF, v9;
	v10 =	vadd.s32 $0x10, v9;
	v7 =	vadd.s32 $0x11, v9;
	v15 =	vld.idx.msk [tilespmem:v15+s3+$0x0], $0xffff  }
0xc0: {  	v52 =	vadd.f32 v1, v52;
	v8 =	vadd.s32 $0x12, v9;
	v6 =	vadd.s32 $0x13, v9;
	v13 =	vld.idx.msk [tilespmem:v13+s3+$0x0], $0xffff  }
0xc1: {  	v51 =	vadd.f32 v2, v51;
	v50 =	vadd.f32 v3, v50;
	v1 =	vld.idx.msk [tilespmem:v14+s3+$0x0], $0xffff  }
0xc2: {  	v49 =	vadd.f32 v4, v49;
	v48 =	vadd.f32 v5, v48;
	v2 =	vld.idx.msk [tilespmem:v17+s3+$0x0], $0xffff  }
0xc3: {  	s21 =	sadd.s32 s19, s15;
	s19 =	smov.u32 s20;
	v47 =	vadd.f32 v12, v47;
	v46 =	vadd.f32 v16, v46;
	v3 =	vld.idx.msk [tilespmem:v18+s3+$0x0], $0xffff  }
0xc4: {  	v4 =	vadd.s32 s21, v0;
	v45 =	vadd.f32 v21, v45;
	v44 =	vadd.f32 v25, v44;
	v5 =	vld.idx.msk [tilespmem:v20+s3+$0x0], $0xffff  }
0xc5: {  	v43 =	vadd.f32 v29, v43;
	v53 =	vadd.f32 v15, v53;
	v9 =	vld.idx.msk [tilespmem:v22+s3+$0x0], $0xffff  }
0xc6: {  	v55 =	vadd.f32 v30, v55;
	v62 =	vadd.f32 v13, v62;
	v12 =	vld.idx.msk [tilespmem:v23+s3+$0x0], $0xffff  }
0xc7: {  	v56 =	vadd.f32 v1, v56;
	v13 =	vld.idx.msk [tilespmem:v24+s3+$0x0], $0xffff  }
0xc8: {  	v63 =	vadd.f32 v2, v63;
	v14 =	vld.idx.msk [tilespmem:v26+s3+$0x0], $0xffff  }
0xc9: {  	v57 =	vadd.f32 v3, v57;
	v15 =	vld.idx.msk [tilespmem:v4+s9+$0x0], $0xffff  }
.Ltmp1:
0xca: {  	v58 =	vadd.f32 v5, v58;
	v1 =	vld.idx.msk [tilespmem:v27+s3+$0x0], $0xffff;
	(pc) =	sbr.rel @p0 .LBB2_5-.Ltmp1, $4  }
0xcb: {  	v54 =	vadd.f32 v9, v54;
	v2 =	vld.idx.msk [tilespmem:v28+s3+$0x0], $0xffff  }
0xcc: {  	v59 =	vadd.f32 v12, v59;
	v3 =	vld.idx.msk [tilespmem:v31+s3+$0x0], $0xffff  }
0xcd: {  	v60 =	vadd.f32 v13, v60;
	v4 =	vld.idx.msk [tilespmem:v32+s3+$0x0], $0xffff  }
0xce: {  	s20 =	sadd.s32 $0x1, s20;
	v61 =	vadd.f32 v14, v61;
	v9 =	vmul.u32 $0x18, v15;
	v5 =	vld.idx.msk [tilespmem:v33+s3+$0x0], $0xffff  }
0xcf: {  	_ =	sdelay $0x3  }
0xd0: {  	v11 =	vld.idx.msk [tilespmem:v11+s3+$0x0], $0xffff  }
0xd1: {  	v10 =	vld.idx.msk [tilespmem:v10+s3+$0x0], $0xffff;
	v12 =	vadd.s32 $0x14, v9  }
0xd2: {  	v7 =	vld.idx.msk [tilespmem:v7+s3+$0x0], $0xffff;
	v13 =	vor.u32 $0x1, v9  }
0xd3: {  	v8 =	vld.idx.msk [tilespmem:v8+s3+$0x0], $0xffff;
	v14 =	vor.u32 $0x2, v9  }
0xd4: {  	v6 =	vld.idx.msk [tilespmem:v6+s3+$0x0], $0xffff;
	v15 =	vor.u32 $0x3, v9  }
0xd5: {  	v16 =	vor.u32 $0x4, v9;
	v17 =	vld.idx.msk [tilespmem:v9+s3+$0x0], $0xffff  }
0xd6: {  	v18 =	vor.u32 $0x5, v9;
	v12 =	vld.idx.msk [tilespmem:v12+s3+$0x0], $0xffff  }
0xd7: {  	v20 =	vor.u32 $0x6, v9;
	v13 =	vld.idx.msk [tilespmem:v13+s3+$0x0], $0xffff  }
0xd8: {  	v21 =	vor.u32 $0x7, v9;
	v14 =	vld.idx.msk [tilespmem:v14+s3+$0x0], $0xffff  }
0xd9: {  	v22 =	vadd.s32 $0x8, v9;
	v15 =	vld.idx.msk [tilespmem:v15+s3+$0x0], $0xffff  }
0xda: {  	v23 =	vadd.s32 $0x9, v9;
	v16 =	vld.idx.msk [tilespmem:v16+s3+$0x0], $0xffff  }
0xdb: {  	v24 =	vadd.s32 $0xA, v9;
	v18 =	vld.idx.msk [tilespmem:v18+s3+$0x0], $0xffff  }
0xdc: {  	v25 =	vadd.s32 $0xB, v9;
	v20 =	vld.idx.msk [tilespmem:v20+s3+$0x0], $0xffff  }
0xdd: {  	v26 =	vadd.s32 $0xC, v9;
	v21 =	vld.idx.msk [tilespmem:v21+s3+$0x0], $0xffff  }
0xde: {  	v27 =	vadd.s32 $0xD, v9;
	v22 =	vld.idx.msk [tilespmem:v22+s3+$0x0], $0xffff  }
0xdf: {  	v28 =	vadd.s32 $0xE, v9;
	v23 =	vld.idx.msk [tilespmem:v23+s3+$0x0], $0xffff  }
0xe0: {  	v29 =	vadd.s32 $0xF, v9;
	v24 =	vld.idx.msk [tilespmem:v24+s3+$0x0], $0xffff  }
0xe1: {  	v30 =	vadd.s32 $0x10, v9;
	v25 =	vld.idx.msk [tilespmem:v25+s3+$0x0], $0xffff  }
0xe2: {  	v31 =	vadd.s32 $0x11, v9;
	v26 =	vld.idx.msk [tilespmem:v26+s3+$0x0], $0xffff  }
0xe3: {  	v32 =	vadd.s32 $0x12, v9;
	v27 =	vld.idx.msk [tilespmem:v27+s3+$0x0], $0xffff  }
0xe4: {  	v9 =	vadd.s32 $0x13, v9;
	v28 =	vld.idx.msk [tilespmem:v28+s3+$0x0], $0xffff  }
0xe5: {  	v29 =	vld.idx.msk [tilespmem:v29+s3+$0x0], $0xffff  }
0xe6: {  	v30 =	vld.idx.msk [tilespmem:v30+s3+$0x0], $0xffff  }
0xe7: {  	v31 =	vld.idx.msk [tilespmem:v31+s3+$0x0], $0xffff  }
0xe8: {  	v17 =	vadd.f32 v17, v55;
	v32 =	vld.idx.msk [tilespmem:v32+s3+$0x0], $0xffff  }
0xe9: {  	v9 =	vld.idx.msk [tilespmem:v9+s3+$0x0], $0xffff  }
0xea: {  	[tilespmem:v19+s11+$0x0] =	vst.idx.msk $0xffff, v17;
	v17 =	vld [tilespmem:$0x1FF50]  }
0xeb: {  	v15 =	vadd.f32 v15, v63;
	v63 =	vadd.f32 v16, v57;
	v16 =	vld [tilespmem:$0x1FF60];
	_ =	sdelay $0x4  }
0xec: {  	v13 =	vadd.f32 v13, v62  }
0xed: {  	v14 =	vadd.f32 v14, v56  }
0xee: {  	[tilespmem:v17+s11+$0x0] =	vst.idx.msk $0xffff, v13  }
0xef: {  	[tilespmem:v16+s11+$0x0] =	vst.idx.msk $0xffff, v14;
	v16 =	vld [tilespmem:$0x1FF70];
	_ =	sdelay $0x7  }
0xf0: {  	[tilespmem:v16+s11+$0x0] =	vst.idx.msk $0xffff, v15;
	v16 =	vld [tilespmem:$0x1FF80];
	_ =	sdelay $0x7  }
0xf1: {  	[tilespmem:v16+s11+$0x0] =	vst.idx.msk $0xffff, v63;
	v16 =	vld [tilespmem:$0x1FF90];
	_ =	sdelay $0x5  }
0xf2: {  	v33 =	vadd.f32 v18, v58;
	_ =	sdelay $0x1  }
0xf3: {  	[tilespmem:v16+s11+$0x0] =	vst.idx.msk $0xffff, v33;
	v16 =	vld [tilespmem:$0x1FFA0];
	_ =	sdelay $0x5  }
0xf4: {  	v54 =	vadd.f32 v20, v54;
	_ =	sdelay $0x1  }
0xf5: {  	[tilespmem:v16+s11+$0x0] =	vst.idx.msk $0xffff, v54;
	v16 =	vld [tilespmem:$0x1FFB0]  }
0xf6: {  	v58 =	vld [tilespmem:$0x1FFC0]  }
0xf7: {  	v55 =	vadd.f32 v21, v59;
	v59 =	vld [tilespmem:$0x1FFD0]  }
0xf8: {  	v56 =	vadd.f32 v22, v60;
	v60 =	vld [tilespmem:$0x1FFE0]  }
0xf9: {  	v57 =	vadd.f32 v23, v61;
	v61 =	vld [tilespmem:$0x1FFF0];
	_ =	sdelay $0x2  }
0xfa: {  	v1 =	vadd.f32 v1, v52  }
0xfb: {  	v2 =	vadd.f32 v2, v51;
	[tilespmem:v16+s11+$0x0] =	vst.idx.msk $0xffff, v55  }
0xfc: {  	v3 =	vadd.f32 v3, v50;
	v1 =	vadd.f32 v24, v1;
	[tilespmem:v58+s11+$0x0] =	vst.idx.msk $0xffff, v56  }
0xfd: {  	v4 =	vadd.f32 v4, v49;
	v2 =	vadd.f32 v25, v2;
	[tilespmem:v59+s11+$0x0] =	vst.idx.msk $0xffff, v57  }
0xfe: {  	v5 =	vadd.f32 v5, v48;
	v3 =	vadd.f32 v26, v3;
	[tilespmem:v60+s11+$0x0] =	vst.idx.msk $0xffff, v1  }
0xff: {  	v4 =	vadd.f32 v27, v4;
	v1 =	vadd.f32 v11, v47;
	[tilespmem:v61+s11+$0x0] =	vst.idx.msk $0xffff, v2  }
0x100: {  	v5 =	vadd.f32 v28, v5;
	v2 =	vadd.f32 v10, v46;
	[tilespmem:v34+s11+$0x0] =	vst.idx.msk $0xffff, v3  }
0x101: {  	v3 =	vadd.f32 v7, v45;
	v1 =	vadd.f32 v29, v1;
	[tilespmem:v35+s11+$0x0] =	vst.idx.msk $0xffff, v4  }
0x102: {  	v62 =	vadd.f32 v8, v44;
	v2 =	vadd.f32 v30, v2;
	[tilespmem:v36+s11+$0x0] =	vst.idx.msk $0xffff, v5  }
0x103: {  	v63 =	vadd.f32 v6, v43;
	v3 =	vadd.f32 v31, v3;
	[tilespmem:v37+s11+$0x0] =	vst.idx.msk $0xffff, v1  }
0x104: {  	s18 =	sshll.u32 s18, $0x4;
	v1 =	vadd.f32 v32, v62;
	[tilespmem:v38+s11+$0x0] =	vst.idx.msk $0xffff, v2  }
0x105: {  	s18 =	sadd.s32 s6, s18;
	v2 =	vadd.f32 v9, v63;
	[tilespmem:v39+s11+$0x0] =	vst.idx.msk $0xffff, v3  }
0x106: {  	s18 =	smul.u32 $0x3, s18;
	v3 =	vadd.f32 v12, v53;
	[tilespmem:v40+s11+$0x0] =	vst.idx.msk $0xffff, v1  }
0x107: {  	[tilespmem:v41+s11+$0x0] =	vst.idx.msk $0xffff, v2  }
0x108: {  	s17 =	sadd.s32 $0x1, s17;
	s18 =	sadd.s32 s2, s18;
	[tilespmem:v42+s11+$0x0] =	vst.idx.msk $0xffff, v3  }
0x109: {  	[hbm4b:s18+s3] =	stream.linear.scatter [tilespmem:s11], [sflag:$0x2], $0x180, $0x38;
	[tilespmem:$0x1F190] =	vst v63  }
0x10a: {  	p0 =	sne.s32 s17, $0x10;
	_ =	swait.ge [sflag:s12], $0x180  }
.Ltmp2:
0x10b: {  	[sflag:s12] =	ssyncset.done $0x0;
	(pc) =	sbr.rel @p0 .LBB2_2-.Ltmp2, $4  }
0x10c: {  	[sflag:s12] =	ssyncadd.s32 $0xFFFFFE80  }
0x10d: {  	_ =	swait.ge [sflag:s13], $0x180  }
0x10e: {  	[sflag:s13] =	ssyncset.done $0x0  }
0x10f: {  	s16 =	sadd.s32 $0x1900, s16;
	s15 =	sadd.s32 $0x1900, s15;
	v33 =	vimm.s32 $0x5DC1;
	v32 =	vimm.s32 $0x5DC0;
	[sflag:s13] =	ssyncadd.s32 $0xFFFFFE80  }
0x110: {  	s14 =	sadd.s32 $0x1, s14  }
0x111: {  	p0 =	sne.s32 s14, s7  }
.Ltmp3:
0x112: {  	_ = 	snop;
	(pc) =	sbr.rel @p0 .LBB2_1-.Ltmp3, $1  }
0x113: {  	_ =	sdelay $0x3  }
0x114: {  	_ =	sfence.sel $0x180000  }
0x115: {  	[bflag:$0x0] =	sbarrier.arrive $0xFFFF  }
0x116: {  	p0 =	sne.s32 s0, $0x0;
	_ =	strace $0x90000047  }
0x117: {  	s0 =	sadd.s32 @!p0 $0x100000, s1;
	[bflag:$0x2] =	sbarrier.arrive $0xFFFF  }
0x118: {  	[sflag:s0] =	ssyncadd.tile.s32 @!p0 $0x1;
	_ =	shalt  }
.Lfunc_end2:
_tile_overlayer_lowered:
.L_overlay_start_2:
0x119: {  	(tag) =	ssettag $0x2  }
0x11a: {  	s0 =	rddreg [dreg:$0x0];
	s2 =	stileid.u32  }
0x11b: {  	s1 =	rddreg [dreg:$0x1];
	p0 =	sne.s32 s2, $0x0  }
0x11c: {  	s3 =	rddreg [dreg:$0x2];
	[bflag:$0x3] =	sbarrier.arrive $0xFFFF;
	s2 =	simm.s32 @!p0 $0x1C03  }
0x11d: {  	[timem:s3], [sflag:s2] =	dma.local @!p0 [hbm:s0], s1  }
0x11e: {  	s0 =	simm.s32 @!p0 $0x3  }
0x11f: {  	_ =	swait.ge @!p0 [sflag:s0], s1  }
0x120: {  	s1 =	ssub.s32 @!p0 $0x0, s1;
	[sflag:s0] =	ssyncset.done @!p0 $0x0  }
0x121: {  	[sflag:s0] =	ssyncadd.s32 @!p0 s1  }
0x122: {  	[bflag:$0x3] =	sbarrier.arrive $0xFFFF  }
0x123: {  	_ =	shalt  }

</sc_bundles>
